<compile_context>
chip_gen: v7x
topology: tpu7x:2x2x1
jax: 0.10.2.dev20260603
libtpu: 0.0.44.dev20260713+nightly
codegen_flags: <defaults>
</compile_context>

<pallas_src>
import functools

import jax
import jax.numpy as jnp
from jax import lax
from jax.experimental import pallas as pl
from jax.experimental.pallas import tpu as pltpu
from jax.experimental.pallas import tpu_sc as plsc

HEIGHT = 32
WIDTH = 32
D_MODEL = 768
NUM_CORES = 2
NUM_SUBCORES = 16
CHUNK = WIDTH * D_MODEL
LANES = 16
UNROLL = 8


def kernel(x, row_embed, col_embed):
    batch, seq_len, d = x.shape
    xf = x.reshape(batch * HEIGHT, CHUNK)
    colf = col_embed.reshape(1, CHUNK)
    mesh = plsc.VectorSubcoreMesh(core_axis_name="c", subcore_axis_name="s")

    @functools.partial(
        pl.kernel,
        mesh=mesh,
        out_type=jax.ShapeDtypeStruct((batch * HEIGHT, CHUNK), jnp.float32),
        scratch_types=[
            pltpu.VMEM((1, CHUNK), jnp.float32),
            pltpu.VMEM((1, D_MODEL), jnp.float32),
            pltpu.VMEM((1, CHUNK), jnp.float32),
            pltpu.VMEM((1, CHUNK), jnp.float32),
            pltpu.VMEM((1, CHUNK), jnp.float32),
            pltpu.VMEM((1, CHUNK), jnp.float32),
            pltpu.SemaphoreType.DMA,
            pltpu.SemaphoreType.DMA,
            pltpu.SemaphoreType.DMA,
            pltpu.SemaphoreType.DMA,
        ],
    )
    def sc_add(
        x_hbm, row_hbm, col_hbm, out_hbm,
        pos_v, row_v, in0, in1, out0, out1, isem0, isem1, osem0, osem1,
    ):
        h = lax.axis_index("s") * NUM_CORES + lax.axis_index("c")
        pltpu.sync_copy(col_hbm, pos_v)
        pltpu.sync_copy(row_hbm.at[pl.ds(h, 1)], row_v)

        def pos_row(r, carry):
            def pos_vec(j, carry):
                o = r * D_MODEL + j * LANES
                pos_v[0, pl.ds(o, LANES)] = (
                    pos_v[0, pl.ds(o, LANES)] + row_v[0, pl.ds(j * LANES, LANES)]
                )
                return carry

            return lax.fori_loop(0, D_MODEL // LANES, pos_vec, carry)

        lax.fori_loop(0, WIDTH, pos_row, 0)

        pltpu.async_copy(x_hbm.at[pl.ds(h, 1)], in0, isem0)
        pltpu.async_copy(x_hbm.at[pl.ds(HEIGHT + h, 1)], in1, isem1)

        def work(b, inb, outb, isem, osem):
            r = b * HEIGHT + h
            pltpu.make_async_copy(x_hbm.at[pl.ds(r, 1)], inb, isem).wait()

            @pl.when(b >= 2)
            def _():
                rp = (b - 2) * HEIGHT + h
                pltpu.make_async_copy(outb, out_hbm.at[pl.ds(rp, 1)], osem).wait()

            def add_vec(i, carry):
                base = i * (LANES * UNROLL)
                for u in range(UNROLL):
                    o = base + u * LANES
                    outb[0, pl.ds(o, LANES)] = (
                        inb[0, pl.ds(o, LANES)] + pos_v[0, pl.ds(o, LANES)]
                    )
                return carry

            lax.fori_loop(0, CHUNK // (LANES * UNROLL), add_vec, 0)

            @pl.when(b + 2 < batch)
            def _():
                rn = (b + 2) * HEIGHT + h
                pltpu.async_copy(x_hbm.at[pl.ds(rn, 1)], inb, isem)

            pltpu.async_copy(outb, out_hbm.at[pl.ds(r, 1)], osem)

        def per_batch(b, carry):
            even = lax.rem(b, 2) == 0

            @pl.when(even)
            def _():
                work(b, in0, out0, isem0, osem0)

            @pl.when(jnp.logical_not(even))
            def _():
                work(b, in1, out1, isem1, osem1)

            return carry

        lax.fori_loop(0, batch, per_batch, 0)

        r0 = (batch - 2) * HEIGHT + h
        r1 = (batch - 1) * HEIGHT + h
        pltpu.make_async_copy(out0, out_hbm.at[pl.ds(r0, 1)], osem0).wait()
        pltpu.make_async_copy(out1, out_hbm.at[pl.ds(r1, 1)], osem1).wait()

    out = sc_add(xf, row_embed, colf)
    return out.reshape(batch, seq_len, d)

# --- scband reference (transcript-rebuilt; emitter-appended) ---
"""Pipeline reference for scband-learned-positional-encoding2-d-19164144075417 (READ-ONLY COPY).

The authoritative reference and input builder live on the scoring server;
editing this copy changes nothing except your own understanding.
"""

import jax, jax.numpy as jnp
import numpy as np

HEIGHT = 32
WIDTH = 32
D_MODEL = 768
BATCH = 64
SEQ_LEN = HEIGHT * WIDTH


def setup_inputs(seed: int = 0) -> dict:
    key = jax.random.key(seed)
    k1, k2, k3 = jax.random.split(key, 3)
    x = jax.random.normal(k1, (BATCH, SEQ_LEN, D_MODEL), dtype=jnp.float32)
    row_embed = jax.random.normal(k2, (HEIGHT, D_MODEL), dtype=jnp.float32)
    col_embed = jax.random.normal(k3, (WIDTH, D_MODEL), dtype=jnp.float32)
    return {"x": x, "row_embed": row_embed, "col_embed": col_embed}


def reference(x, row_embed, col_embed):
    n_tokens = x.shape[1]
    rows = jnp.arange(HEIGHT)
    cols = jnp.arange(WIDTH)
    row_pos = jnp.take(row_embed, rows, axis=0)  # [H, D]
    col_pos = jnp.take(col_embed, cols, axis=0)  # [W, D]
    pos = row_pos[:, None, :] + col_pos[None, :, :]  # [H, W, D]
    pos = pos.reshape(-1, D_MODEL)  # [H*W, D]
    return x + pos[None, :n_tokens, :]

if __name__ == "__main__":
    import jax
    _d = setup_inputs()
    print(jax.jit(kernel)(*tuple(_d.values())))

</pallas_src>

<mosaic_0001>
#map = affine_map<(d0, d1) -> (0, 0)>
module attributes {stable_mosaic.version = 14 : i64} {
  func.func @sc_add(%arg0: i32, %arg1: i32, %arg2: memref<2048x24576xf32, #tpu.memory_space<hbm>>, %arg3: memref<32x768xf32, #tpu.memory_space<hbm>>, %arg4: memref<1x24576xf32, #tpu.memory_space<hbm>>, %arg5: memref<2048x24576xf32, #tpu.memory_space<hbm>>, %arg6: memref<1x24576xf32, #tpu.memory_space<vmem>>, %arg7: memref<1x768xf32, #tpu.memory_space<vmem>>, %arg8: memref<1x24576xf32, #tpu.memory_space<vmem>>, %arg9: memref<1x24576xf32, #tpu.memory_space<vmem>>, %arg10: memref<1x24576xf32, #tpu.memory_space<vmem>>, %arg11: memref<1x24576xf32, #tpu.memory_space<vmem>>, %arg12: memref<!tpu.dma_semaphore, #tpu.memory_space<semaphore_mem>>, %arg13: memref<!tpu.dma_semaphore, #tpu.memory_space<semaphore_mem>>, %arg14: memref<!tpu.dma_semaphore, #tpu.memory_space<semaphore_mem>>, %arg15: memref<!tpu.dma_semaphore, #tpu.memory_space<semaphore_mem>>) attributes {dimension_semantics = [#tpu.dimension_semantics<core_parallel>, #tpu.dimension_semantics<subcore_parallel>], iteration_bounds = array<i64: 2, 16>, scalar_prefetch = 0 : i64, scratch_operands = 10 : i64, tpu.core_type = #tpu.core_type<sc_vector_subcore>, window_params = [{transform_indices = #map}, {transform_indices = #map}, {transform_indices = #map}, {transform_indices = #map}]} {
    %mul3A = arith.constant 2 : i32
    %mul3A_0 = arith.muli %arg1, %mul3A : i32
    %add3A = arith.addi %mul3A_0, %arg0 : i32
    "tpu.region"() ({
      %run_scoped3A = tpu.sem_alloc : memref<!tpu.dma_semaphore, #tpu.memory_space<semaphore_mem>>
      tpu.enqueue_dma source(%arg4 : memref<1x24576xf32, #tpu.memory_space<hbm>>) target(%arg6 : memref<1x24576xf32, #tpu.memory_space<vmem>>) target_semaphore(%run_scoped3A : memref<!tpu.dma_semaphore, #tpu.memory_space<semaphore_mem>>)
      tpu.wait_dma2 semaphore(%run_scoped3A : memref<!tpu.dma_semaphore, #tpu.memory_space<semaphore_mem>>) src(%arg4 : memref<1x24576xf32, #tpu.memory_space<hbm>>) dst(%arg6 : memref<1x24576xf32, #tpu.memory_space<vmem>>)
      tpu.yield
    }) : () -> ()
    "tpu.region"() ({
      %run_scoped3A = tpu.sem_alloc : memref<!tpu.dma_semaphore, #tpu.memory_space<semaphore_mem>>
      %dma_start3A_32 = arith.constant 0 : i32
      %dma_start3A_33 = tpu.memref_slice %arg3[%add3A, %dma_start3A_32] : memref<32x768xf32, #tpu.memory_space<hbm>> -> memref<1x768xf32, #tpu.memory_space<hbm>>
      %dma_start3A_34 = arith.constant 0 : i32
      %dma_start3A_35 = tpu.memref_slice %arg3[%add3A, %dma_start3A_34] : memref<32x768xf32, #tpu.memory_space<hbm>> -> memref<1x768xf32, #tpu.memory_space<hbm>>
      tpu.enqueue_dma source(%dma_start3A_35 : memref<1x768xf32, #tpu.memory_space<hbm>>) target(%arg7 : memref<1x768xf32, #tpu.memory_space<vmem>>) target_semaphore(%run_scoped3A : memref<!tpu.dma_semaphore, #tpu.memory_space<semaphore_mem>>)
      %dma_wait3A_36 = arith.constant 0 : i32
      %dma_wait3A_37 = tpu.memref_slice %arg3[%add3A, %dma_wait3A_36] : memref<32x768xf32, #tpu.memory_space<hbm>> -> memref<1x768xf32, #tpu.memory_space<hbm>>
      %dma_wait3A_38 = arith.constant 0 : i32
      %dma_wait3A_39 = tpu.memref_slice %arg3[%add3A, %dma_wait3A_38] : memref<32x768xf32, #tpu.memory_space<hbm>> -> memref<1x768xf32, #tpu.memory_space<hbm>>
      tpu.wait_dma2 semaphore(%run_scoped3A : memref<!tpu.dma_semaphore, #tpu.memory_space<semaphore_mem>>) src(%dma_wait3A_39 : memref<1x768xf32, #tpu.memory_space<hbm>>) dst(%arg7 : memref<1x768xf32, #tpu.memory_space<vmem>>)
      tpu.yield
    }) : () -> ()
    %scan3A = arith.constant 0 : i32
    %scan3A_1 = arith.constant 0 : i32
    %scan3A_2 = arith.constant 32 : i32
    %scan3A_3 = arith.addi %scan3A_1, %scan3A_2 : i32
    %scan3A_4 = arith.constant 1 : i32
    scf.for %scan3A_32 = %scan3A_1 to %scan3A_3 step %scan3A_4  : i32 {
      %scan3A_33 = arith.constant 0 : i32
      %scan3A_34 = arith.constant 48 : i32
      %scan3A_35 = arith.addi %scan3A_33, %scan3A_34 : i32
      %scan3A_36 = arith.constant 1 : i32
      scf.for %scan3A_38 = %scan3A_33 to %scan3A_35 step %scan3A_36  : i32 {
        %mul3A_39 = arith.constant 768 : i32
        %mul3A_40 = arith.muli %scan3A_32, %mul3A_39 : i32
        %mul3A_41 = arith.constant 16 : i32
        %mul3A_42 = arith.muli %scan3A_38, %mul3A_41 : i32
        %add3A_43 = arith.addi %mul3A_40, %mul3A_42 : i32
        %get3A = arith.constant 0 : i32
        %get3A_44 = arith.index_cast %get3A : i32 to index
        %get3A_45 = arith.index_cast %add3A_43 : i32 to index
        %get3A_46 = tpu.vector_load %arg6[%get3A_44, %get3A_45] {strides = array<i32>} : memref<1x24576xf32, #tpu.memory_space<vmem>>, vector<1x16xf32>,
        %get3A_47 = vector.shape_cast %get3A_46 : vector<1x16xf32> to vector<16xf32>
        %mul3A_48 = arith.constant 16 : i32
        %mul3A_49 = arith.muli %scan3A_38, %mul3A_48 : i32
        %get3A_50 = arith.constant 0 : i32
        %get3A_51 = arith.index_cast %get3A_50 : i32 to index
        %get3A_52 = arith.index_cast %mul3A_49 : i32 to index
        %get3A_53 = tpu.vector_load %arg7[%get3A_51, %get3A_52] {strides = array<i32>} : memref<1x768xf32, #tpu.memory_space<vmem>>, vector<1x16xf32>,
        %get3A_54 = vector.shape_cast %get3A_53 : vector<1x16xf32> to vector<16xf32>
        %add3A_55 = arith.addf %get3A_47, %get3A_54 : vector<16xf32>
        %swap3A = arith.constant 0 : i32
        %swap3A_56 = arith.index_cast %swap3A : i32 to index
        %swap3A_57 = arith.index_cast %add3A_43 : i32 to index
        %swap3A_58 = tpu.vector_load %arg6[%swap3A_56, %swap3A_57] {strides = array<i32>} : memref<1x24576xf32, #tpu.memory_space<vmem>>, vector<1x16xf32>,
        %swap3A_59 = vector.shape_cast %swap3A_58 : vector<1x16xf32> to vector<16xf32>
        %swap3A_60 = vector.shape_cast %add3A_55 : vector<16xf32> to vector<1x16xf32>
        tpu.vector_store %arg6[%swap3A_56, %swap3A_57], %swap3A_60 {strides = array<i32>} : memref<1x24576xf32, #tpu.memory_space<vmem>>, vector<1x16xf32>,
      }
      %scan3A_37 = arith.constant 48 : i32
    }
    %scan3A_5 = arith.constant 32 : i32
    %dma_start3A = arith.constant 0 : i32
    %dma_start3A_6 = tpu.memref_slice %arg2[%add3A, %dma_start3A] : memref<2048x24576xf32, #tpu.memory_space<hbm>> -> memref<1x24576xf32, #tpu.memory_space<hbm>>
    %dma_start3A_7 = arith.constant 0 : i32
    %dma_start3A_8 = tpu.memref_slice %arg2[%add3A, %dma_start3A_7] : memref<2048x24576xf32, #tpu.memory_space<hbm>> -> memref<1x24576xf32, #tpu.memory_space<hbm>>
    tpu.enqueue_dma source(%dma_start3A_8 : memref<1x24576xf32, #tpu.memory_space<hbm>>) target(%arg8 : memref<1x24576xf32, #tpu.memory_space<vmem>>) target_semaphore(%arg12 : memref<!tpu.dma_semaphore, #tpu.memory_space<semaphore_mem>>)
    %add3A_9 = arith.constant 32 : i32
    %add3A_10 = arith.addi %add3A_9, %add3A : i32
    %dma_start3A_11 = arith.constant 0 : i32
    %dma_start3A_12 = tpu.memref_slice %arg2[%add3A_10, %dma_start3A_11] : memref<2048x24576xf32, #tpu.memory_space<hbm>> -> memref<1x24576xf32, #tpu.memory_space<hbm>>
    %dma_start3A_13 = arith.constant 0 : i32
    %dma_start3A_14 = tpu.memref_slice %arg2[%add3A_10, %dma_start3A_13] : memref<2048x24576xf32, #tpu.memory_space<hbm>> -> memref<1x24576xf32, #tpu.memory_space<hbm>>
    tpu.enqueue_dma source(%dma_start3A_14 : memref<1x24576xf32, #tpu.memory_space<hbm>>) target(%arg9 : memref<1x24576xf32, #tpu.memory_space<vmem>>) target_semaphore(%arg13 : memref<!tpu.dma_semaphore, #tpu.memory_space<semaphore_mem>>)
    %scan3A_15 = arith.constant 0 : i32
    %scan3A_16 = arith.constant 0 : i32
    %scan3A_17 = arith.constant 64 : i32
    %scan3A_18 = arith.addi %scan3A_16, %scan3A_17 : i32
    %scan3A_19 = arith.constant 1 : i32
    scf.for %scan3A_32 = %scan3A_16 to %scan3A_18 step %scan3A_19  : i32 {
      %rem3A = arith.constant 2 : i32
      %rem3A_33 = arith.remsi %scan3A_32, %rem3A : i32
      %eq3A = arith.constant 0 : i32
      %eq3A_34 = arith.cmpi eq, %rem3A_33, %eq3A : i32
      %convert_element_type3A = arith.extui %eq3A_34 : i1 to i32
      %cond3A = arith.constant 0 : i32
      %cond3A_35 = arith.cmpi ne, %convert_element_type3A, %cond3A : i32
      scf.if %cond3A_35 {
        %mul3A_40 = arith.constant 32 : i32
        %mul3A_41 = arith.muli %scan3A_32, %mul3A_40 : i32
        %add3A_42 = arith.addi %mul3A_41, %add3A : i32
        %dma_wait3A_43 = arith.constant 0 : i32
        %dma_wait3A_44 = tpu.memref_slice %arg2[%add3A_42, %dma_wait3A_43] : memref<2048x24576xf32, #tpu.memory_space<hbm>> -> memref<1x24576xf32, #tpu.memory_space<hbm>>
        %dma_wait3A_45 = arith.constant 0 : i32
        %dma_wait3A_46 = tpu.memref_slice %arg2[%add3A_42, %dma_wait3A_45] : memref<2048x24576xf32, #tpu.memory_space<hbm>> -> memref<1x24576xf32, #tpu.memory_space<hbm>>
        tpu.wait_dma2 semaphore(%arg12 : memref<!tpu.dma_semaphore, #tpu.memory_space<semaphore_mem>>) src(%dma_wait3A_46 : memref<1x24576xf32, #tpu.memory_space<hbm>>) dst(%arg8 : memref<1x24576xf32, #tpu.memory_space<vmem>>)
        %ge3A = arith.constant 2 : i32
        %ge3A_47 = arith.cmpi sge, %scan3A_32, %ge3A : i32
        %convert_element_type3A_48 = arith.extui %ge3A_47 : i1 to i32
        %cond3A_49 = arith.constant 0 : i32
        %cond3A_50 = arith.cmpi ne, %convert_element_type3A_48, %cond3A_49 : i32
        scf.if %cond3A_50 {
          %sub3A = arith.constant 2 : i32
          %sub3A_67 = arith.subi %scan3A_32, %sub3A : i32
          %mul3A_68 = arith.constant 32 : i32
          %mul3A_69 = arith.muli %sub3A_67, %mul3A_68 : i32
          %add3A_70 = arith.addi %mul3A_69, %add3A : i32
          %dma_wait3A_71 = arith.constant 0 : i32
          %dma_wait3A_72 = tpu.memref_slice %arg5[%add3A_70, %dma_wait3A_71] : memref<2048x24576xf32, #tpu.memory_space<hbm>> -> memref<1x24576xf32, #tpu.memory_space<hbm>>
          %dma_wait3A_73 = arith.constant 0 : i32
          %dma_wait3A_74 = tpu.memref_slice %arg5[%add3A_70, %dma_wait3A_73] : memref<2048x24576xf32, #tpu.memory_space<hbm>> -> memref<1x24576xf32, #tpu.memory_space<hbm>>
          tpu.wait_dma2 semaphore(%arg14 : memref<!tpu.dma_semaphore, #tpu.memory_space<semaphore_mem>>) src(%arg10 : memref<1x24576xf32, #tpu.memory_space<vmem>>) dst(%dma_wait3A_74 : memref<1x24576xf32, #tpu.memory_space<hbm>>)
        } else {
        }
        %scan3A_51 = arith.constant 0 : i32
        %scan3A_52 = arith.constant 0 : i32
        %scan3A_53 = arith.constant 192 : i32
        %scan3A_54 = arith.addi %scan3A_52, %scan3A_53 : i32
        %scan3A_55 = arith.constant 1 : i32
        scf.for %scan3A_67 = %scan3A_52 to %scan3A_54 step %scan3A_55  : i32 {
          %mul3A_68 = arith.constant 128 : i32
          %mul3A_69 = arith.muli %scan3A_67, %mul3A_68 : i32
          %add3A_70 = arith.constant 0 : i32
          %add3A_71 = arith.addi %mul3A_69, %add3A_70 : i32
          %get3A = arith.constant 0 : i32
          %get3A_72 = arith.index_cast %get3A : i32 to index
          %get3A_73 = arith.index_cast %add3A_71 : i32 to index
          %get3A_74 = tpu.vector_load %arg8[%get3A_72, %get3A_73] {strides = array<i32>} : memref<1x24576xf32, #tpu.memory_space<vmem>>, vector<1x16xf32>,
          %get3A_75 = vector.shape_cast %get3A_74 : vector<1x16xf32> to vector<16xf32>
          %get3A_76 = arith.constant 0 : i32
          %get3A_77 = arith.index_cast %get3A_76 : i32 to index
          %get3A_78 = arith.index_cast %add3A_71 : i32 to index
          %get3A_79 = tpu.vector_load %arg6[%get3A_77, %get3A_78] {strides = array<i32>} : memref<1x24576xf32, #tpu.memory_space<vmem>>, vector<1x16xf32>,
          %get3A_80 = vector.shape_cast %get3A_79 : vector<1x16xf32> to vector<16xf32>
          %add3A_81 = arith.addf %get3A_75, %get3A_80 : vector<16xf32>
          %swap3A = arith.constant 0 : i32
          %swap3A_82 = arith.index_cast %swap3A : i32 to index
          %swap3A_83 = arith.index_cast %add3A_71 : i32 to index
          %swap3A_84 = tpu.vector_load %arg10[%swap3A_82, %swap3A_83] {strides = array<i32>} : memref<1x24576xf32, #tpu.memory_space<vmem>>, vector<1x16xf32>,
          %swap3A_85 = vector.shape_cast %swap3A_84 : vector<1x16xf32> to vector<16xf32>
          %swap3A_86 = vector.shape_cast %add3A_81 : vector<16xf32> to vector<1x16xf32>
          tpu.vector_store %arg10[%swap3A_82, %swap3A_83], %swap3A_86 {strides = array<i32>} : memref<1x24576xf32, #tpu.memory_space<vmem>>, vector<1x16xf32>,
          %add3A_87 = arith.constant 16 : i32
          %add3A_88 = arith.addi %mul3A_69, %add3A_87 : i32
          %get3A_89 = arith.constant 0 : i32
          %get3A_90 = arith.index_cast %get3A_89 : i32 to index
          %get3A_91 = arith.index_cast %add3A_88 : i32 to index
          %get3A_92 = tpu.vector_load %arg8[%get3A_90, %get3A_91] {strides = array<i32>} : memref<1x24576xf32, #tpu.memory_space<vmem>>, vector<1x16xf32>,
          %get3A_93 = vector.shape_cast %get3A_92 : vector<1x16xf32> to vector<16xf32>
          %get3A_94 = arith.constant 0 : i32
          %get3A_95 = arith.index_cast %get3A_94 : i32 to index
          %get3A_96 = arith.index_cast %add3A_88 : i32 to index
          %get3A_97 = tpu.vector_load %arg6[%get3A_95, %get3A_96] {strides = array<i32>} : memref<1x24576xf32, #tpu.memory_space<vmem>>, vector<1x16xf32>,
          %get3A_98 = vector.shape_cast %get3A_97 : vector<1x16xf32> to vector<16xf32>
          %add3A_99 = arith.addf %get3A_93, %get3A_98 : vector<16xf32>
          %swap3A_100 = arith.constant 0 : i32
          %swap3A_101 = arith.index_cast %swap3A_100 : i32 to index
          %swap3A_102 = arith.index_cast %add3A_88 : i32 to index
          %swap3A_103 = tpu.vector_load %arg10[%swap3A_101, %swap3A_102] {strides = array<i32>} : memref<1x24576xf32, #tpu.memory_space<vmem>>, vector<1x16xf32>,
          %swap3A_104 = vector.shape_cast %swap3A_103 : vector<1x16xf32> to vector<16xf32>
          %swap3A_105 = vector.shape_cast %add3A_99 : vector<16xf32> to vector<1x16xf32>
          tpu.vector_store %arg10[%swap3A_101, %swap3A_102], %swap3A_105 {strides = array<i32>} : memref<1x24576xf32, #tpu.memory_space<vmem>>, vector<1x16xf32>,
          %add3A_106 = arith.constant 32 : i32
          %add3A_107 = arith.addi %mul3A_69, %add3A_106 : i32
          %get3A_108 = arith.constant 0 : i32
          %get3A_109 = arith.index_cast %get3A_108 : i32 to index
          %get3A_110 = arith.index_cast %add3A_107 : i32 to index
          %get3A_111 = tpu.vector_load %arg8[%get3A_109, %get3A_110] {strides = array<i32>} : memref<1x24576xf32, #tpu.memory_space<vmem>>, vector<1x16xf32>,
          %get3A_112 = vector.shape_cast %get3A_111 : vector<1x16xf32> to vector<16xf32>
          %get3A_113 = arith.constant 0 : i32
          %get3A_114 = arith.index_cast %get3A_113 : i32 to index
          %get3A_115 = arith.index_cast %add3A_107 : i32 to index
          %get3A_116 = tpu.vector_load %arg6[%get3A_114, %get3A_115] {strides = array<i32>} : memref<1x24576xf32, #tpu.memory_space<vmem>>, vector<1x16xf32>,
          %get3A_117 = vector.shape_cast %get3A_116 : vector<1x16xf32> to vector<16xf32>
          %add3A_118 = arith.addf %get3A_112, %get3A_117 : vector<16xf32>
          %swap3A_119 = arith.constant 0 : i32
          %swap3A_120 = arith.index_cast %swap3A_119 : i32 to index
          %swap3A_121 = arith.index_cast %add3A_107 : i32 to index
          %swap3A_122 = tpu.vector_load %arg10[%swap3A_120, %swap3A_121] {strides = array<i32>} : memref<1x24576xf32, #tpu.memory_space<vmem>>, vector<1x16xf32>,
          %swap3A_123 = vector.shape_cast %swap3A_122 : vector<1x16xf32> to vector<16xf32>
          %swap3A_124 = vector.shape_cast %add3A_118 : vector<16xf32> to vector<1x16xf32>
          tpu.vector_store %arg10[%swap3A_120, %swap3A_121], %swap3A_124 {strides = array<i32>} : memref<1x24576xf32, #tpu.memory_space<vmem>>, vector<1x16xf32>,
          %add3A_125 = arith.constant 48 : i32
          %add3A_126 = arith.addi %mul3A_69, %add3A_125 : i32
          %get3A_127 = arith.constant 0 : i32
          %get3A_128 = arith.index_cast %get3A_127 : i32 to index
          %get3A_129 = arith.index_cast %add3A_126 : i32 to index
          %get3A_130 = tpu.vector_load %arg8[%get3A_128, %get3A_129] {strides = array<i32>} : memref<1x24576xf32, #tpu.memory_space<vmem>>, vector<1x16xf32>,
          %get3A_131 = vector.shape_cast %get3A_130 : vector<1x16xf32> to vector<16xf32>
          %get3A_132 = arith.constant 0 : i32
          %get3A_133 = arith.index_cast %get3A_132 : i32 to index
          %get3A_134 = arith.index_cast %add3A_126 : i32 to index
          %get3A_135 = tpu.vector_load %arg6[%get3A_133, %get3A_134] {strides = array<i32>} : memref<1x24576xf32, #tpu.memory_space<vmem>>, vector<1x16xf32>,
          %get3A_136 = vector.shape_cast %get3A_135 : vector<1x16xf32> to vector<16xf32>
          %add3A_137 = arith.addf %get3A_131, %get3A_136 : vector<16xf32>
          %swap3A_138 = arith.constant 0 : i32
          %swap3A_139 = arith.index_cast %swap3A_138 : i32 to index
          %swap3A_140 = arith.index_cast %add3A_126 : i32 to index
          %swap3A_141 = tpu.vector_load %arg10[%swap3A_139, %swap3A_140] {strides = array<i32>} : memref<1x24576xf32, #tpu.memory_space<vmem>>, vector<1x16xf32>,
          %swap3A_142 = vector.shape_cast %swap3A_141 : vector<1x16xf32> to vector<16xf32>
          %swap3A_143 = vector.shape_cast %add3A_137 : vector<16xf32> to vector<1x16xf32>
          tpu.vector_store %arg10[%swap3A_139, %swap3A_140], %swap3A_143 {strides = array<i32>} : memref<1x24576xf32, #tpu.memory_space<vmem>>, vector<1x16xf32>,
          %add3A_144 = arith.constant 64 : i32
          %add3A_145 = arith.addi %mul3A_69, %add3A_144 : i32
          %get3A_146 = arith.constant 0 : i32
          %get3A_147 = arith.index_cast %get3A_146 : i32 to index
          %get3A_148 = arith.index_cast %add3A_145 : i32 to index
          %get3A_149 = tpu.vector_load %arg8[%get3A_147, %get3A_148] {strides = array<i32>} : memref<1x24576xf32, #tpu.memory_space<vmem>>, vector<1x16xf32>,
          %get3A_150 = vector.shape_cast %get3A_149 : vector<1x16xf32> to vector<16xf32>
          %get3A_151 = arith.constant 0 : i32
          %get3A_152 = arith.index_cast %get3A_151 : i32 to index
          %get3A_153 = arith.index_cast %add3A_145 : i32 to index
          %get3A_154 = tpu.vector_load %arg6[%get3A_152, %get3A_153] {strides = array<i32>} : memref<1x24576xf32, #tpu.memory_space<vmem>>, vector<1x16xf32>,
          %get3A_155 = vector.shape_cast %get3A_154 : vector<1x16xf32> to vector<16xf32>
          %add3A_156 = arith.addf %get3A_150, %get3A_155 : vector<16xf32>
          %swap3A_157 = arith.constant 0 : i32
          %swap3A_158 = arith.index_cast %swap3A_157 : i32 to index
          %swap3A_159 = arith.index_cast %add3A_145 : i32 to index
          %swap3A_160 = tpu.vector_load %arg10[%swap3A_158, %swap3A_159] {strides = array<i32>} : memref<1x24576xf32, #tpu.memory_space<vmem>>, vector<1x16xf32>,
          %swap3A_161 = vector.shape_cast %swap3A_160 : vector<1x16xf32> to vector<16xf32>
          %swap3A_162 = vector.shape_cast %add3A_156 : vector<16xf32> to vector<1x16xf32>
          tpu.vector_store %arg10[%swap3A_158, %swap3A_159], %swap3A_162 {strides = array<i32>} : memref<1x24576xf32, #tpu.memory_space<vmem>>, vector<1x16xf32>,
          %add3A_163 = arith.constant 80 : i32
          %add3A_164 = arith.addi %mul3A_69, %add3A_163 : i32
          %get3A_165 = arith.constant 0 : i32
          %get3A_166 = arith.index_cast %get3A_165 : i32 to index
          %get3A_167 = arith.index_cast %add3A_164 : i32 to index
          %get3A_168 = tpu.vector_load %arg8[%get3A_166, %get3A_167] {strides = array<i32>} : memref<1x24576xf32, #tpu.memory_space<vmem>>, vector<1x16xf32>,
          %get3A_169 = vector.shape_cast %get3A_168 : vector<1x16xf32> to vector<16xf32>
          %get3A_170 = arith.constant 0 : i32
          %get3A_171 = arith.index_cast %get3A_170 : i32 to index
          %get3A_172 = arith.index_cast %add3A_164 : i32 to index
          %get3A_173 = tpu.vector_load %arg6[%get3A_171, %get3A_172] {strides = array<i32>} : memref<1x24576xf32, #tpu.memory_space<vmem>>, vector<1x16xf32>,
          %get3A_174 = vector.shape_cast %get3A_173 : vector<1x16xf32> to vector<16xf32>
          %add3A_175 = arith.addf %get3A_169, %get3A_174 : vector<16xf32>
          %swap3A_176 = arith.constant 0 : i32
          %swap3A_177 = arith.index_cast %swap3A_176 : i32 to index
          %swap3A_178 = arith.index_cast %add3A_164 : i32 to index
          %swap3A_179 = tpu.vector_load %arg10[%swap3A_177, %swap3A_178] {strides = array<i32>} : memref<1x24576xf32, #tpu.memory_space<vmem>>, vector<1x16xf32>,
          %swap3A_180 = vector.shape_cast %swap3A_179 : vector<1x16xf32> to vector<16xf32>
          %swap3A_181 = vector.shape_cast %add3A_175 : vector<16xf32> to vector<1x16xf32>
          tpu.vector_store %arg10[%swap3A_177, %swap3A_178], %swap3A_181 {strides = array<i32>} : memref<1x24576xf32, #tpu.memory_space<vmem>>, vector<1x16xf32>,
          %add3A_182 = arith.constant 96 : i32
          %add3A_183 = arith.addi %mul3A_69, %add3A_182 : i32
          %get3A_184 = arith.constant 0 : i32
          %get3A_185 = arith.index_cast %get3A_184 : i32 to index
          %get3A_186 = arith.index_cast %add3A_183 : i32 to index
          %get3A_187 = tpu.vector_load %arg8[%get3A_185, %get3A_186] {strides = array<i32>} : memref<1x24576xf32, #tpu.memory_space<vmem>>, vector<1x16xf32>,
          %get3A_188 = vector.shape_cast %get3A_187 : vector<1x16xf32> to vector<16xf32>
          %get3A_189 = arith.constant 0 : i32
          %get3A_190 = arith.index_cast %get3A_189 : i32 to index
          %get3A_191 = arith.index_cast %add3A_183 : i32 to index
          %get3A_192 = tpu.vector_load %arg6[%get3A_190, %get3A_191] {strides = array<i32>} : memref<1x24576xf32, #tpu.memory_space<vmem>>, vector<1x16xf32>,
          %get3A_193 = vector.shape_cast %get3A_192 : vector<1x16xf32> to vector<16xf32>
          %add3A_194 = arith.addf %get3A_188, %get3A_193 : vector<16xf32>
          %swap3A_195 = arith.constant 0 : i32
          %swap3A_196 = arith.index_cast %swap3A_195 : i32 to index
          %swap3A_197 = arith.index_cast %add3A_183 : i32 to index
          %swap3A_198 = tpu.vector_load %arg10[%swap3A_196, %swap3A_197] {strides = array<i32>} : memref<1x24576xf32, #tpu.memory_space<vmem>>, vector<1x16xf32>,
          %swap3A_199 = vector.shape_cast %swap3A_198 : vector<1x16xf32> to vector<16xf32>
          %swap3A_200 = vector.shape_cast %add3A_194 : vector<16xf32> to vector<1x16xf32>
          tpu.vector_store %arg10[%swap3A_196, %swap3A_197], %swap3A_200 {strides = array<i32>} : memref<1x24576xf32, #tpu.memory_space<vmem>>, vector<1x16xf32>,
          %add3A_201 = arith.constant 112 : i32
          %add3A_202 = arith.addi %mul3A_69, %add3A_201 : i32
          %get3A_203 = arith.constant 0 : i32
          %get3A_204 = arith.index_cast %get3A_203 : i32 to index
          %get3A_205 = arith.index_cast %add3A_202 : i32 to index
          %get3A_206 = tpu.vector_load %arg8[%get3A_204, %get3A_205] {strides = array<i32>} : memref<1x24576xf32, #tpu.memory_space<vmem>>, vector<1x16xf32>,
          %get3A_207 = vector.shape_cast %get3A_206 : vector<1x16xf32> to vector<16xf32>
          %get3A_208 = arith.constant 0 : i32
          %get3A_209 = arith.index_cast %get3A_208 : i32 to index
          %get3A_210 = arith.index_cast %add3A_202 : i32 to index
          %get3A_211 = tpu.vector_load %arg6[%get3A_209, %get3A_210] {strides = array<i32>} : memref<1x24576xf32, #tpu.memory_space<vmem>>, vector<1x16xf32>,
          %get3A_212 = vector.shape_cast %get3A_211 : vector<1x16xf32> to vector<16xf32>
          %add3A_213 = arith.addf %get3A_207, %get3A_212 : vector<16xf32>
          %swap3A_214 = arith.constant 0 : i32
          %swap3A_215 = arith.index_cast %swap3A_214 : i32 to index
          %swap3A_216 = arith.index_cast %add3A_202 : i32 to index
          %swap3A_217 = tpu.vector_load %arg10[%swap3A_215, %swap3A_216] {strides = array<i32>} : memref<1x24576xf32, #tpu.memory_space<vmem>>, vector<1x16xf32>,
          %swap3A_218 = vector.shape_cast %swap3A_217 : vector<1x16xf32> to vector<16xf32>
          %swap3A_219 = vector.shape_cast %add3A_213 : vector<16xf32> to vector<1x16xf32>
          tpu.vector_store %arg10[%swap3A_215, %swap3A_216], %swap3A_219 {strides = array<i32>} : memref<1x24576xf32, #tpu.memory_space<vmem>>, vector<1x16xf32>,
        }
        %scan3A_56 = arith.constant 192 : i32
        %add3A_57 = arith.constant 2 : i32
        %add3A_58 = arith.addi %scan3A_32, %add3A_57 : i32
        %lt3A = arith.constant 64 : i32
        %lt3A_59 = arith.cmpi slt, %add3A_58, %lt3A : i32
        %convert_element_type3A_60 = arith.extui %lt3A_59 : i1 to i32
        %cond3A_61 = arith.constant 0 : i32
        %cond3A_62 = arith.cmpi ne, %convert_element_type3A_60, %cond3A_61 : i32
        scf.if %cond3A_62 {
          %add3A_67 = arith.constant 2 : i32
          %add3A_68 = arith.addi %scan3A_32, %add3A_67 : i32
          %mul3A_69 = arith.constant 32 : i32
          %mul3A_70 = arith.muli %add3A_68, %mul3A_69 : i32
          %add3A_71 = arith.addi %mul3A_70, %add3A : i32
          %dma_start3A_72 = arith.constant 0 : i32
          %dma_start3A_73 = tpu.memref_slice %arg2[%add3A_71, %dma_start3A_72] : memref<2048x24576xf32, #tpu.memory_space<hbm>> -> memref<1x24576xf32, #tpu.memory_space<hbm>>
          %dma_start3A_74 = arith.constant 0 : i32
          %dma_start3A_75 = tpu.memref_slice %arg2[%add3A_71, %dma_start3A_74] : memref<2048x24576xf32, #tpu.memory_space<hbm>> -> memref<1x24576xf32, #tpu.memory_space<hbm>>
          tpu.enqueue_dma source(%dma_start3A_75 : memref<1x24576xf32, #tpu.memory_space<hbm>>) target(%arg8 : memref<1x24576xf32, #tpu.memory_space<vmem>>) target_semaphore(%arg12 : memref<!tpu.dma_semaphore, #tpu.memory_space<semaphore_mem>>)
        } else {
        }
        %dma_start3A_63 = arith.constant 0 : i32
        %dma_start3A_64 = tpu.memref_slice %arg5[%add3A_42, %dma_start3A_63] : memref<2048x24576xf32, #tpu.memory_space<hbm>> -> memref<1x24576xf32, #tpu.memory_space<hbm>>
        %dma_start3A_65 = arith.constant 0 : i32
        %dma_start3A_66 = tpu.memref_slice %arg5[%add3A_42, %dma_start3A_65] : memref<2048x24576xf32, #tpu.memory_space<hbm>> -> memref<1x24576xf32, #tpu.memory_space<hbm>>
        tpu.enqueue_dma source(%arg10 : memref<1x24576xf32, #tpu.memory_space<vmem>>) target(%dma_start3A_66 : memref<1x24576xf32, #tpu.memory_space<hbm>>) target_semaphore(%arg14 : memref<!tpu.dma_semaphore, #tpu.memory_space<semaphore_mem>>)
      } else {
      }
      %not3A = arith.constant true
      %not3A_36 = arith.xori %eq3A_34, %not3A : i1
      %convert_element_type3A_37 = arith.extui %not3A_36 : i1 to i32
      %cond3A_38 = arith.constant 0 : i32
      %cond3A_39 = arith.cmpi ne, %convert_element_type3A_37, %cond3A_38 : i32
      scf.if %cond3A_39 {
        %mul3A_40 = arith.constant 32 : i32
        %mul3A_41 = arith.muli %scan3A_32, %mul3A_40 : i32
        %add3A_42 = arith.addi %mul3A_41, %add3A : i32
        %dma_wait3A_43 = arith.constant 0 : i32
        %dma_wait3A_44 = tpu.memref_slice %arg2[%add3A_42, %dma_wait3A_43] : memref<2048x24576xf32, #tpu.memory_space<hbm>> -> memref<1x24576xf32, #tpu.memory_space<hbm>>
        %dma_wait3A_45 = arith.constant 0 : i32
        %dma_wait3A_46 = tpu.memref_slice %arg2[%add3A_42, %dma_wait3A_45] : memref<2048x24576xf32, #tpu.memory_space<hbm>> -> memref<1x24576xf32, #tpu.memory_space<hbm>>
        tpu.wait_dma2 semaphore(%arg13 : memref<!tpu.dma_semaphore, #tpu.memory_space<semaphore_mem>>) src(%dma_wait3A_46 : memref<1x24576xf32, #tpu.memory_space<hbm>>) dst(%arg9 : memref<1x24576xf32, #tpu.memory_space<vmem>>)
        %ge3A = arith.constant 2 : i32
        %ge3A_47 = arith.cmpi sge, %scan3A_32, %ge3A : i32
        %convert_element_type3A_48 = arith.extui %ge3A_47 : i1 to i32
        %cond3A_49 = arith.constant 0 : i32
        %cond3A_50 = arith.cmpi ne, %convert_element_type3A_48, %cond3A_49 : i32
        scf.if %cond3A_50 {
          %sub3A = arith.constant 2 : i32
          %sub3A_67 = arith.subi %scan3A_32, %sub3A : i32
          %mul3A_68 = arith.constant 32 : i32
          %mul3A_69 = arith.muli %sub3A_67, %mul3A_68 : i32
          %add3A_70 = arith.addi %mul3A_69, %add3A : i32
          %dma_wait3A_71 = arith.constant 0 : i32
          %dma_wait3A_72 = tpu.memref_slice %arg5[%add3A_70, %dma_wait3A_71] : memref<2048x24576xf32, #tpu.memory_space<hbm>> -> memref<1x24576xf32, #tpu.memory_space<hbm>>
          %dma_wait3A_73 = arith.constant 0 : i32
          %dma_wait3A_74 = tpu.memref_slice %arg5[%add3A_70, %dma_wait3A_73] : memref<2048x24576xf32, #tpu.memory_space<hbm>> -> memref<1x24576xf32, #tpu.memory_space<hbm>>
          tpu.wait_dma2 semaphore(%arg15 : memref<!tpu.dma_semaphore, #tpu.memory_space<semaphore_mem>>) src(%arg11 : memref<1x24576xf32, #tpu.memory_space<vmem>>) dst(%dma_wait3A_74 : memref<1x24576xf32, #tpu.memory_space<hbm>>)
        } else {
        }
        %scan3A_51 = arith.constant 0 : i32
        %scan3A_52 = arith.constant 0 : i32
        %scan3A_53 = arith.constant 192 : i32
        %scan3A_54 = arith.addi %scan3A_52, %scan3A_53 : i32
        %scan3A_55 = arith.constant 1 : i32
        scf.for %scan3A_67 = %scan3A_52 to %scan3A_54 step %scan3A_55  : i32 {
          %mul3A_68 = arith.constant 128 : i32
          %mul3A_69 = arith.muli %scan3A_67, %mul3A_68 : i32
          %add3A_70 = arith.constant 0 : i32
          %add3A_71 = arith.addi %mul3A_69, %add3A_70 : i32
          %get3A = arith.constant 0 : i32
          %get3A_72 = arith.index_cast %get3A : i32 to index
          %get3A_73 = arith.index_cast %add3A_71 : i32 to index
          %get3A_74 = tpu.vector_load %arg9[%get3A_72, %get3A_73] {strides = array<i32>} : memref<1x24576xf32, #tpu.memory_space<vmem>>, vector<1x16xf32>,
          %get3A_75 = vector.shape_cast %get3A_74 : vector<1x16xf32> to vector<16xf32>
          %get3A_76 = arith.constant 0 : i32
          %get3A_77 = arith.index_cast %get3A_76 : i32 to index
          %get3A_78 = arith.index_cast %add3A_71 : i32 to index
          %get3A_79 = tpu.vector_load %arg6[%get3A_77, %get3A_78] {strides = array<i32>} : memref<1x24576xf32, #tpu.memory_space<vmem>>, vector<1x16xf32>,
          %get3A_80 = vector.shape_cast %get3A_79 : vector<1x16xf32> to vector<16xf32>
          %add3A_81 = arith.addf %get3A_75, %get3A_80 : vector<16xf32>
          %swap3A = arith.constant 0 : i32
          %swap3A_82 = arith.index_cast %swap3A : i32 to index
          %swap3A_83 = arith.index_cast %add3A_71 : i32 to index
          %swap3A_84 = tpu.vector_load %arg11[%swap3A_82, %swap3A_83] {strides = array<i32>} : memref<1x24576xf32, #tpu.memory_space<vmem>>, vector<1x16xf32>,
          %swap3A_85 = vector.shape_cast %swap3A_84 : vector<1x16xf32> to vector<16xf32>
          %swap3A_86 = vector.shape_cast %add3A_81 : vector<16xf32> to vector<1x16xf32>
          tpu.vector_store %arg11[%swap3A_82, %swap3A_83], %swap3A_86 {strides = array<i32>} : memref<1x24576xf32, #tpu.memory_space<vmem>>, vector<1x16xf32>,
          %add3A_87 = arith.constant 16 : i32
          %add3A_88 = arith.addi %mul3A_69, %add3A_87 : i32
          %get3A_89 = arith.constant 0 : i32
          %get3A_90 = arith.index_cast %get3A_89 : i32 to index
          %get3A_91 = arith.index_cast %add3A_88 : i32 to index
          %get3A_92 = tpu.vector_load %arg9[%get3A_90, %get3A_91] {strides = array<i32>} : memref<1x24576xf32, #tpu.memory_space<vmem>>, vector<1x16xf32>,
          %get3A_93 = vector.shape_cast %get3A_92 : vector<1x16xf32> to vector<16xf32>
          %get3A_94 = arith.constant 0 : i32
          %get3A_95 = arith.index_cast %get3A_94 : i32 to index
          %get3A_96 = arith.index_cast %add3A_88 : i32 to index
          %get3A_97 = tpu.vector_load %arg6[%get3A_95, %get3A_96] {strides = array<i32>} : memref<1x24576xf32, #tpu.memory_space<vmem>>, vector<1x16xf32>,
          %get3A_98 = vector.shape_cast %get3A_97 : vector<1x16xf32> to vector<16xf32>
          %add3A_99 = arith.addf %get3A_93, %get3A_98 : vector<16xf32>
          %swap3A_100 = arith.constant 0 : i32
          %swap3A_101 = arith.index_cast %swap3A_100 : i32 to index
          %swap3A_102 = arith.index_cast %add3A_88 : i32 to index
          %swap3A_103 = tpu.vector_load %arg11[%swap3A_101, %swap3A_102] {strides = array<i32>} : memref<1x24576xf32, #tpu.memory_space<vmem>>, vector<1x16xf32>,
          %swap3A_104 = vector.shape_cast %swap3A_103 : vector<1x16xf32> to vector<16xf32>
          %swap3A_105 = vector.shape_cast %add3A_99 : vector<16xf32> to vector<1x16xf32>
          tpu.vector_store %arg11[%swap3A_101, %swap3A_102], %swap3A_105 {strides = array<i32>} : memref<1x24576xf32, #tpu.memory_space<vmem>>, vector<1x16xf32>,
          %add3A_106 = arith.constant 32 : i32
          %add3A_107 = arith.addi %mul3A_69, %add3A_106 : i32
          %get3A_108 = arith.constant 0 : i32
          %get3A_109 = arith.index_cast %get3A_108 : i32 to index
          %get3A_110 = arith.index_cast %add3A_107 : i32 to index
          %get3A_111 = tpu.vector_load %arg9[%get3A_109, %get3A_110] {strides = array<i32>} : memref<1x24576xf32, #tpu.memory_space<vmem>>, vector<1x16xf32>,
          %get3A_112 = vector.shape_cast %get3A_111 : vector<1x16xf32> to vector<16xf32>
          %get3A_113 = arith.constant 0 : i32
          %get3A_114 = arith.index_cast %get3A_113 : i32 to index
          %get3A_115 = arith.index_cast %add3A_107 : i32 to index
          %get3A_116 = tpu.vector_load %arg6[%get3A_114, %get3A_115] {strides = array<i32>} : memref<1x24576xf32, #tpu.memory_space<vmem>>, vector<1x16xf32>,
          %get3A_117 = vector.shape_cast %get3A_116 : vector<1x16xf32> to vector<16xf32>
          %add3A_118 = arith.addf %get3A_112, %get3A_117 : vector<16xf32>
          %swap3A_119 = arith.constant 0 : i32
          %swap3A_120 = arith.index_cast %swap3A_119 : i32 to index
          %swap3A_121 = arith.index_cast %add3A_107 : i32 to index
          %swap3A_122 = tpu.vector_load %arg11[%swap3A_120, %swap3A_121] {strides = array<i32>} : memref<1x24576xf32, #tpu.memory_space<vmem>>, vector<1x16xf32>,
          %swap3A_123 = vector.shape_cast %swap3A_122 : vector<1x16xf32> to vector<16xf32>
          %swap3A_124 = vector.shape_cast %add3A_118 : vector<16xf32> to vector<1x16xf32>
          tpu.vector_store %arg11[%swap3A_120, %swap3A_121], %swap3A_124 {strides = array<i32>} : memref<1x24576xf32, #tpu.memory_space<vmem>>, vector<1x16xf32>,
          %add3A_125 = arith.constant 48 : i32
          %add3A_126 = arith.addi %mul3A_69, %add3A_125 : i32
          %get3A_127 = arith.constant 0 : i32
          %get3A_128 = arith.index_cast %get3A_127 : i32 to index
          %get3A_129 = arith.index_cast %add3A_126 : i32 to index
          %get3A_130 = tpu.vector_load %arg9[%get3A_128, %get3A_129] {strides = array<i32>} : memref<1x24576xf32, #tpu.memory_space<vmem>>, vector<1x16xf32>,
          %get3A_131 = vector.shape_cast %get3A_130 : vector<1x16xf32> to vector<16xf32>
          %get3A_132 = arith.constant 0 : i32
          %get3A_133 = arith.index_cast %get3A_132 : i32 to index
          %get3A_134 = arith.index_cast %add3A_126 : i32 to index
          %get3A_135 = tpu.vector_load %arg6[%get3A_133, %get3A_134] {strides = array<i32>} : memref<1x24576xf32, #tpu.memory_space<vmem>>, vector<1x16xf32>,
          %get3A_136 = vector.shape_cast %get3A_135 : vector<1x16xf32> to vector<16xf32>
          %add3A_137 = arith.addf %get3A_131, %get3A_136 : vector<16xf32>
          %swap3A_138 = arith.constant 0 : i32
          %swap3A_139 = arith.index_cast %swap3A_138 : i32 to index
          %swap3A_140 = arith.index_cast %add3A_126 : i32 to index
          %swap3A_141 = tpu.vector_load %arg11[%swap3A_139, %swap3A_140] {strides = array<i32>} : memref<1x24576xf32, #tpu.memory_space<vmem>>, vector<1x16xf32>,
          %swap3A_142 = vector.shape_cast %swap3A_141 : vector<1x16xf32> to vector<16xf32>
          %swap3A_143 = vector.shape_cast %add3A_137 : vector<16xf32> to vector<1x16xf32>
          tpu.vector_store %arg11[%swap3A_139, %swap3A_140], %swap3A_143 {strides = array<i32>} : memref<1x24576xf32, #tpu.memory_space<vmem>>, vector<1x16xf32>,
          %add3A_144 = arith.constant 64 : i32
          %add3A_145 = arith.addi %mul3A_69, %add3A_144 : i32
          %get3A_146 = arith.constant 0 : i32
          %get3A_147 = arith.index_cast %get3A_146 : i32 to index
          %get3A_148 = arith.index_cast %add3A_145 : i32 to index
          %get3A_149 = tpu.vector_load %arg9[%get3A_147, %get3A_148] {strides = array<i32>} : memref<1x24576xf32, #tpu.memory_space<vmem>>, vector<1x16xf32>,
          %get3A_150 = vector.shape_cast %get3A_149 : vector<1x16xf32> to vector<16xf32>
          %get3A_151 = arith.constant 0 : i32
          %get3A_152 = arith.index_cast %get3A_151 : i32 to index
          %get3A_153 = arith.index_cast %add3A_145 : i32 to index
          %get3A_154 = tpu.vector_load %arg6[%get3A_152, %get3A_153] {strides = array<i32>} : memref<1x24576xf32, #tpu.memory_space<vmem>>, vector<1x16xf32>,
          %get3A_155 = vector.shape_cast %get3A_154 : vector<1x16xf32> to vector<16xf32>
          %add3A_156 = arith.addf %get3A_150, %get3A_155 : vector<16xf32>
          %swap3A_157 = arith.constant 0 : i32
          %swap3A_158 = arith.index_cast %swap3A_157 : i32 to index
          %swap3A_159 = arith.index_cast %add3A_145 : i32 to index
          %swap3A_160 = tpu.vector_load %arg11[%swap3A_158, %swap3A_159] {strides = array<i32>} : memref<1x24576xf32, #tpu.memory_space<vmem>>, vector<1x16xf32>,
          %swap3A_161 = vector.shape_cast %swap3A_160 : vector<1x16xf32> to vector<16xf32>
          %swap3A_162 = vector.shape_cast %add3A_156 : vector<16xf32> to vector<1x16xf32>
          tpu.vector_store %arg11[%swap3A_158, %swap3A_159], %swap3A_162 {strides = array<i32>} : memref<1x24576xf32, #tpu.memory_space<vmem>>, vector<1x16xf32>,
          %add3A_163 = arith.constant 80 : i32
          %add3A_164 = arith.addi %mul3A_69, %add3A_163 : i32
          %get3A_165 = arith.constant 0 : i32
          %get3A_166 = arith.index_cast %get3A_165 : i32 to index
          %get3A_167 = arith.index_cast %add3A_164 : i32 to index
          %get3A_168 = tpu.vector_load %arg9[%get3A_166, %get3A_167] {strides = array<i32>} : memref<1x24576xf32, #tpu.memory_space<vmem>>, vector<1x16xf32>,
          %get3A_169 = vector.shape_cast %get3A_168 : vector<1x16xf32> to vector<16xf32>
          %get3A_170 = arith.constant 0 : i32
          %get3A_171 = arith.index_cast %get3A_170 : i32 to index
          %get3A_172 = arith.index_cast %add3A_164 : i32 to index
          %get3A_173 = tpu.vector_load %arg6[%get3A_171, %get3A_172] {strides = array<i32>} : memref<1x24576xf32, #tpu.memory_space<vmem>>, vector<1x16xf32>,
          %get3A_174 = vector.shape_cast %get3A_173 : vector<1x16xf32> to vector<16xf32>
          %add3A_175 = arith.addf %get3A_169, %get3A_174 : vector<16xf32>
          %swap3A_176 = arith.constant 0 : i32
          %swap3A_177 = arith.index_cast %swap3A_176 : i32 to index
          %swap3A_178 = arith.index_cast %add3A_164 : i32 to index
          %swap3A_179 = tpu.vector_load %arg11[%swap3A_177, %swap3A_178] {strides = array<i32>} : memref<1x24576xf32, #tpu.memory_space<vmem>>, vector<1x16xf32>,
          %swap3A_180 = vector.shape_cast %swap3A_179 : vector<1x16xf32> to vector<16xf32>
          %swap3A_181 = vector.shape_cast %add3A_175 : vector<16xf32> to vector<1x16xf32>
          tpu.vector_store %arg11[%swap3A_177, %swap3A_178], %swap3A_181 {strides = array<i32>} : memref<1x24576xf32, #tpu.memory_space<vmem>>, vector<1x16xf32>,
          %add3A_182 = arith.constant 96 : i32
          %add3A_183 = arith.addi %mul3A_69, %add3A_182 : i32
          %get3A_184 = arith.constant 0 : i32
          %get3A_185 = arith.index_cast %get3A_184 : i32 to index
          %get3A_186 = arith.index_cast %add3A_183 : i32 to index
          %get3A_187 = tpu.vector_load %arg9[%get3A_185, %get3A_186] {strides = array<i32>} : memref<1x24576xf32, #tpu.memory_space<vmem>>, vector<1x16xf32>,
          %get3A_188 = vector.shape_cast %get3A_187 : vector<1x16xf32> to vector<16xf32>
          %get3A_189 = arith.constant 0 : i32
          %get3A_190 = arith.index_cast %get3A_189 : i32 to index
          %get3A_191 = arith.index_cast %add3A_183 : i32 to index
          %get3A_192 = tpu.vector_load %arg6[%get3A_190, %get3A_191] {strides = array<i32>} : memref<1x24576xf32, #tpu.memory_space<vmem>>, vector<1x16xf32>,
          %get3A_193 = vector.shape_cast %get3A_192 : vector<1x16xf32> to vector<16xf32>
          %add3A_194 = arith.addf %get3A_188, %get3A_193 : vector<16xf32>
          %swap3A_195 = arith.constant 0 : i32
          %swap3A_196 = arith.index_cast %swap3A_195 : i32 to index
          %swap3A_197 = arith.index_cast %add3A_183 : i32 to index
          %swap3A_198 = tpu.vector_load %arg11[%swap3A_196, %swap3A_197] {strides = array<i32>} : memref<1x24576xf32, #tpu.memory_space<vmem>>, vector<1x16xf32>,
          %swap3A_199 = vector.shape_cast %swap3A_198 : vector<1x16xf32> to vector<16xf32>
          %swap3A_200 = vector.shape_cast %add3A_194 : vector<16xf32> to vector<1x16xf32>
          tpu.vector_store %arg11[%swap3A_196, %swap3A_197], %swap3A_200 {strides = array<i32>} : memref<1x24576xf32, #tpu.memory_space<vmem>>, vector<1x16xf32>,
          %add3A_201 = arith.constant 112 : i32
          %add3A_202 = arith.addi %mul3A_69, %add3A_201 : i32
          %get3A_203 = arith.constant 0 : i32
          %get3A_204 = arith.index_cast %get3A_203 : i32 to index
          %get3A_205 = arith.index_cast %add3A_202 : i32 to index
          %get3A_206 = tpu.vector_load %arg9[%get3A_204, %get3A_205] {strides = array<i32>} : memref<1x24576xf32, #tpu.memory_space<vmem>>, vector<1x16xf32>,
          %get3A_207 = vector.shape_cast %get3A_206 : vector<1x16xf32> to vector<16xf32>
          %get3A_208 = arith.constant 0 : i32
          %get3A_209 = arith.index_cast %get3A_208 : i32 to index
          %get3A_210 = arith.index_cast %add3A_202 : i32 to index
          %get3A_211 = tpu.vector_load %arg6[%get3A_209, %get3A_210] {strides = array<i32>} : memref<1x24576xf32, #tpu.memory_space<vmem>>, vector<1x16xf32>,
          %get3A_212 = vector.shape_cast %get3A_211 : vector<1x16xf32> to vector<16xf32>
          %add3A_213 = arith.addf %get3A_207, %get3A_212 : vector<16xf32>
          %swap3A_214 = arith.constant 0 : i32
          %swap3A_215 = arith.index_cast %swap3A_214 : i32 to index
          %swap3A_216 = arith.index_cast %add3A_202 : i32 to index
          %swap3A_217 = tpu.vector_load %arg11[%swap3A_215, %swap3A_216] {strides = array<i32>} : memref<1x24576xf32, #tpu.memory_space<vmem>>, vector<1x16xf32>,
          %swap3A_218 = vector.shape_cast %swap3A_217 : vector<1x16xf32> to vector<16xf32>
          %swap3A_219 = vector.shape_cast %add3A_213 : vector<16xf32> to vector<1x16xf32>
          tpu.vector_store %arg11[%swap3A_215, %swap3A_216], %swap3A_219 {strides = array<i32>} : memref<1x24576xf32, #tpu.memory_space<vmem>>, vector<1x16xf32>,
        }
        %scan3A_56 = arith.constant 192 : i32
        %add3A_57 = arith.constant 2 : i32
        %add3A_58 = arith.addi %scan3A_32, %add3A_57 : i32
        %lt3A = arith.constant 64 : i32
        %lt3A_59 = arith.cmpi slt, %add3A_58, %lt3A : i32
        %convert_element_type3A_60 = arith.extui %lt3A_59 : i1 to i32
        %cond3A_61 = arith.constant 0 : i32
        %cond3A_62 = arith.cmpi ne, %convert_element_type3A_60, %cond3A_61 : i32
        scf.if %cond3A_62 {
          %add3A_67 = arith.constant 2 : i32
          %add3A_68 = arith.addi %scan3A_32, %add3A_67 : i32
          %mul3A_69 = arith.constant 32 : i32
          %mul3A_70 = arith.muli %add3A_68, %mul3A_69 : i32
          %add3A_71 = arith.addi %mul3A_70, %add3A : i32
          %dma_start3A_72 = arith.constant 0 : i32
          %dma_start3A_73 = tpu.memref_slice %arg2[%add3A_71, %dma_start3A_72] : memref<2048x24576xf32, #tpu.memory_space<hbm>> -> memref<1x24576xf32, #tpu.memory_space<hbm>>
          %dma_start3A_74 = arith.constant 0 : i32
          %dma_start3A_75 = tpu.memref_slice %arg2[%add3A_71, %dma_start3A_74] : memref<2048x24576xf32, #tpu.memory_space<hbm>> -> memref<1x24576xf32, #tpu.memory_space<hbm>>
          tpu.enqueue_dma source(%dma_start3A_75 : memref<1x24576xf32, #tpu.memory_space<hbm>>) target(%arg9 : memref<1x24576xf32, #tpu.memory_space<vmem>>) target_semaphore(%arg13 : memref<!tpu.dma_semaphore, #tpu.memory_space<semaphore_mem>>)
        } else {
        }
        %dma_start3A_63 = arith.constant 0 : i32
        %dma_start3A_64 = tpu.memref_slice %arg5[%add3A_42, %dma_start3A_63] : memref<2048x24576xf32, #tpu.memory_space<hbm>> -> memref<1x24576xf32, #tpu.memory_space<hbm>>
        %dma_start3A_65 = arith.constant 0 : i32
        %dma_start3A_66 = tpu.memref_slice %arg5[%add3A_42, %dma_start3A_65] : memref<2048x24576xf32, #tpu.memory_space<hbm>> -> memref<1x24576xf32, #tpu.memory_space<hbm>>
        tpu.enqueue_dma source(%arg11 : memref<1x24576xf32, #tpu.memory_space<vmem>>) target(%dma_start3A_66 : memref<1x24576xf32, #tpu.memory_space<hbm>>) target_semaphore(%arg15 : memref<!tpu.dma_semaphore, #tpu.memory_space<semaphore_mem>>)
      } else {
      }
    }
    %scan3A_20 = arith.constant 64 : i32
    %add3A_21 = arith.constant 1984 : i32
    %add3A_22 = arith.addi %add3A_21, %add3A : i32
    %add3A_23 = arith.constant 2016 : i32
    %add3A_24 = arith.addi %add3A_23, %add3A : i32
    %dma_wait3A = arith.constant 0 : i32
    %dma_wait3A_25 = tpu.memref_slice %arg5[%add3A_22, %dma_wait3A] : memref<2048x24576xf32, #tpu.memory_space<hbm>> -> memref<1x24576xf32, #tpu.memory_space<hbm>>
    %dma_wait3A_26 = arith.constant 0 : i32
    %dma_wait3A_27 = tpu.memref_slice %arg5[%add3A_22, %dma_wait3A_26] : memref<2048x24576xf32, #tpu.memory_space<hbm>> -> memref<1x24576xf32, #tpu.memory_space<hbm>>
    tpu.wait_dma2 semaphore(%arg14 : memref<!tpu.dma_semaphore, #tpu.memory_space<semaphore_mem>>) src(%arg10 : memref<1x24576xf32, #tpu.memory_space<vmem>>) dst(%dma_wait3A_27 : memref<1x24576xf32, #tpu.memory_space<hbm>>)
    %dma_wait3A_28 = arith.constant 0 : i32
    %dma_wait3A_29 = tpu.memref_slice %arg5[%add3A_24, %dma_wait3A_28] : memref<2048x24576xf32, #tpu.memory_space<hbm>> -> memref<1x24576xf32, #tpu.memory_space<hbm>>
    %dma_wait3A_30 = arith.constant 0 : i32
    %dma_wait3A_31 = tpu.memref_slice %arg5[%add3A_24, %dma_wait3A_30] : memref<2048x24576xf32, #tpu.memory_space<hbm>> -> memref<1x24576xf32, #tpu.memory_space<hbm>>
    tpu.wait_dma2 semaphore(%arg15 : memref<!tpu.dma_semaphore, #tpu.memory_space<semaphore_mem>>) src(%arg11 : memref<1x24576xf32, #tpu.memory_space<vmem>>) dst(%dma_wait3A_31 : memref<1x24576xf32, #tpu.memory_space<hbm>>)
    return
  }
}

</mosaic_0001>

<sc_bundles>
// kernel: kernel.3.cloned.1.call-start
scs
__scs_entry_jumppad:
0x0: {  	(pc) =	sbr.rel $0x88, $3  }
0x1: {  	(tag) =	ssettag $0x0;
	lr =	simm.s32 $0x1  }
0x2: {  	[smem:$0x3F9E] =	sst lr;
	_ =	strace $0xD0000000  }
0x3: {  	_ = 	snop  }
0x4: {  	_ = 	snop  }
0x5: {  	_ = 	snop  }
0x6: {  	_ = 	snop  }
0x7: {  	_ = 	snop  }
__scs_overlays_trampoline_lowered:
0x8: {  	[smem:$0x3FAD] =	sst s0  }
0x9: {  	[smem:$0x3FAE] =	sst s1  }
0xa: {  	[smem:$0x3FAF] =	sst s2  }
0xb: {  	[smem:$0x3FB0] =	sst s3  }
0xc: {  	[smem:$0x3FB1] =	sst s4  }
0xd: {  	[smem:$0x3FB2] =	sst s5  }
0xe: {  	[smem:$0x3FB3] =	sst s6  }
0xf: {  	[smem:$0x3FB4] =	sst s7  }
0x10: {  	[smem:$0x3FB5] =	sst s8  }
0x11: {  	[smem:$0x3FB6] =	sst s9;
	s0 =	simm.s32 @!p0 $0x0  }
0x12: {  	s1 =	sld [smem:$0x3F9C];
	s0 =	simm.s32 @p0 $0x1  }
0x13: {  	[smem:$0x3FB7] =	sst s0;
	s0 =	simm.s32 @!p1 $0x0  }
0x14: {  	s2 =	sld [smem:$0x3F9B];
	s0 =	simm.s32 @p1 $0x1  }
0x15: {  	[smem:$0x3FB8] =	sst s0;
	s0 =	simm.s32 @!p2 $0x0  }
0x16: {  	s3 =	sld [smem:$0x3FDB];
	s0 =	simm.s32 @p2 $0x1  }
0x17: {  	s4 =	simm.s32 $0x1BF5;
	[smem:$0x3FBA] =	sst s0  }
0x18: {  	s0 =	sld [smem:$0x3F9D];
	_ =	swait.ge [sflag:s4], $0x0  }
0x19: {  	s7 =	sld [smem:$0x3F9E]  }
0x1a: {  	s8 =	sadd.s32 $0xFFFFE003, lr  }
0x1b: {  	s9 =	sadd.s32 $0xFFFFFEF7, lr;
	s5 =	simm.s32 $0xFFFFFFFF;
	p2 =	slt.u32 s8, $0xFFFFF086  }
0x1c: {  	p1 =	slt.u32 s9, $0xF7A;
	s5 =	simm.s32 @!p2 $0x0  }
0x1d: {  	s5 =	simm.s32 @p1 $0x1;
	p0 =	seq.s32 s7, s2  }
0x1e: {  	s7 =	smul.u32 @!p0 $0xF7A, s2;
	p2 =	seq.s32 @!p0 s5, $0x0  }
0x1f: {  	s9 =	smul.u32 $0xF7A, s1;
	s8 =	simm.s32 @!p0 $0x1BF5;
	p2 =	por !p2, p0  }
0x20: {  	[sflag:s8] =	ssyncset.s32 @!p0 $0xFFFFF086;
	s6 =	sadd.s32 @!p0 s3, s7;
	s7 =	simm.s32 @!p0 $0x108  }
0x21: {  	s3 =	sadd.s32 s3, s9;
	s6 =	sadd.s32 @!p0 $0x88, s6;
	s7 =	simm.s32 @p2 $0x1082  }
0x22: {  	[simem:s7], [sflag:s8] =	dma.local @!p0 [hbm:s6], $0xF7A  }
0x23: {  	s9 =	sor.u32 $0xD0000000, s2;
	s6 =	simm.s32 $0x108;
	_ =	swait.ge @!p0 [sflag:s8], $0x0  }
0x24: {  	s3 =	sadd.s32 $0x88, s3;
	s6 =	simm.s32 @!p1 $0x1082;
	[sflag:s4] =	ssyncset.s32 $0xFFFFF086  }
0x25: {  	[simem:s6], [sflag:s4] =	dma.local [hbm:s3], $0xF7A  }
0x26: {  	[smem:$0x3F9E] =	sst s1;
	(tag) =	ssettag s2;
	_ =	strace s9  }
0x27: {  	s1 =	sld [smem:$0x3FAE]  }
0x28: {  	s2 =	sld [smem:$0x3FAF]  }
0x29: {  	s4 =	sld [smem:$0x3FB1]  }
0x2a: {  	p0 =	seq.s32 s5, $0x0;
	s5 =	sld [smem:$0x3FB2]  }
0x2b: {  	s6 =	sld [smem:$0x3FB3]  }
0x2c: {  	s7 =	sld [smem:$0x3FB4]  }
0x2d: {  	s3 =	simm.s32 $0x108;
	s8 =	sld [smem:$0x3FB5]  }
0x2e: {  	s3 =	simm.s32 @!p0 $0x1082;
	s9 =	sld [smem:$0x3FB6]  }
0x2f: {  	lr =	sadd.s32 s0, s3;
	s0 =	sld [smem:$0x3FAD]  }
0x30: {  	s3 =	sld [smem:$0x3FB0]  }
0x31: {  	[smem:$0x3FB9] =	sst s10  }
0x32: {  	s10 =	sld [smem:$0x3FB7];
	_ =	sdelay $0x3  }
0x33: {  	p0 =	seq.s32 s10, $0x1;
	s10 =	sld [smem:$0x3FB9];
	_ =	sdelay $0x3  }
0x34: {  	[smem:$0x3FB9] =	sst s10  }
0x35: {  	s10 =	sld [smem:$0x3FB8];
	_ =	sdelay $0x3  }
0x36: {  	p1 =	seq.s32 s10, $0x1;
	s10 =	sld [smem:$0x3FB9];
	_ =	sdelay $0x3  }
0x37: {  	[smem:$0x3FB9] =	sst s10  }
0x38: {  	s10 =	sld [smem:$0x3FBA]  }
0x39: {  	_ = 	snop;
	(pc) =	sbr.ind lr, $3  }
0x3a: {  	_ = 	snop  }
0x3b: {  	_ = 	snop  }
0x3c: {  	p2 =	seq.s32 s10, $0x1;
	s10 =	sld [smem:$0x3FB9]  }
0x3d: {  	_ =	shalt  }
0x3e: {  	_ =	shalt  }
0x3f: {  	_ =	shalt  }
0x40: {  	_ =	shalt  }
0x41: {  	_ =	shalt  }
0x42: {  	_ =	shalt  }
0x43: {  	_ =	shalt  }
0x44: {  	_ =	shalt  }
0x45: {  	_ =	shalt  }
0x46: {  	_ =	shalt  }
0x47: {  	_ =	shalt  }
0x48: {  	_ =	shalt  }
0x49: {  	_ =	shalt  }
0x4a: {  	_ =	shalt  }
0x4b: {  	_ =	shalt  }
0x4c: {  	_ =	shalt  }
0x4d: {  	_ =	shalt  }
0x4e: {  	_ =	shalt  }
0x4f: {  	_ =	shalt  }
0x50: {  	_ =	shalt  }
0x51: {  	_ =	shalt  }
0x52: {  	_ =	shalt  }
0x53: {  	_ =	shalt  }
0x54: {  	_ =	shalt  }
0x55: {  	_ =	shalt  }
0x56: {  	_ =	shalt  }
0x57: {  	_ =	shalt  }
0x58: {  	_ =	shalt  }
0x59: {  	_ =	shalt  }
0x5a: {  	_ =	shalt  }
0x5b: {  	_ =	shalt  }
0x5c: {  	_ =	shalt  }
0x5d: {  	_ =	shalt  }
0x5e: {  	_ =	shalt  }
0x5f: {  	_ =	shalt  }
0x60: {  	_ =	shalt  }
0x61: {  	_ =	shalt  }
0x62: {  	_ =	shalt  }
0x63: {  	_ =	shalt  }
0x64: {  	_ =	shalt  }
0x65: {  	_ =	shalt  }
0x66: {  	_ =	shalt  }
0x67: {  	_ =	shalt  }
0x68: {  	_ =	shalt  }
0x69: {  	_ =	shalt  }
0x6a: {  	_ =	shalt  }
0x6b: {  	_ =	shalt  }
0x6c: {  	_ =	shalt  }
0x6d: {  	_ =	shalt  }
0x6e: {  	_ =	shalt  }
0x6f: {  	_ =	shalt  }
0x70: {  	_ =	shalt  }
0x71: {  	_ =	shalt  }
0x72: {  	_ =	shalt  }
0x73: {  	_ =	shalt  }
0x74: {  	_ =	shalt  }
0x75: {  	_ =	shalt  }
0x76: {  	_ =	shalt  }
0x77: {  	_ =	shalt  }
0x78: {  	_ =	shalt  }
0x79: {  	_ =	shalt  }
0x7a: {  	_ =	shalt  }
0x7b: {  	_ =	shalt  }
0x7c: {  	_ =	shalt  }
0x7d: {  	_ =	shalt  }
0x7e: {  	_ =	shalt  }
0x7f: {  	_ =	shalt  }
0x80: {  	_ =	shalt  }
0x81: {  	_ =	shalt  }
0x82: {  	_ =	shalt  }
0x83: {  	_ =	shalt  }
0x84: {  	_ =	shalt  }
0x85: {  	_ =	shalt  }
0x86: {  	_ =	shalt  }
0x87: {  	_ =	shalt  }
.Lfunc_end0:
.L_simem_size_0:
called_computation_lowered:
.L_overlay_start_0:
0x88: {  	s2 =	sld [smem:$0x3FD9]  }
0x89: {  	s3 =	sld [smem:$0x3FFE];
	_ =	sdelay $0x1  }
0x8a: {  	s1 =	srdreg.scid  }
0x8b: {  	s0 =	sand.u32 $0x1, s1  }
0x8c: {  	s17 =	sshll.u32 s0, $0xA;
	s2 =	sadd.s32 s3, s2  }
0x8d: {  	s2 =	sadd.s32 s2, s17  }
0x8e: {  	[smem:$0x3FC5] =	sst s2  }
0x8f: {  	_ = 	snop  }
0x90: {  	s2 =	sld [smem:$0x3FC8]  }
0x91: {  	s18 =	sld [smem:$0x3FD0];
	(tm) =	ssettm $0x1  }
0x92: {  	s4 =	sld [smem:$0x3FFB];
	_ =	sdelay $0x3  }
0x93: {  	_ =	strace s4  }
0x94: {  	s4 =	sld [smem:$0x3FFC];
	_ =	sdelay $0x3  }
0x95: {  	_ =	strace s4  }
0x96: {  	s4 =	sld [smem:$0x3FFD];
	_ =	sdelay $0x3  }
0x97: {  	_ =	strace s4  }
0x98: {  	_ =	strace $0x8FFFFFFF  }
0x99: {  	s19 =	sld [smem:$0x3FDB];
	_ =	sdelay $0x1  }
0x9a: {  	s5 =	simm.s32 $_scs_section_size  }
0x9b: {  	s6 =	simm.s32 $_size__tile_overlayer_lowered;
	s7 =	simm.s32 $_tile_overlayer_lowered  }
0x9c: {  	s22 =	simm.s32 $0x1BFF;
	s21 =	sshll.u32 s7, $0x1;
	s4 =	sadd.s32 s5, s19  }
0x9d: {  	s8 =	simm.s32 $0x0;
	s20 =	sshll.u32 s6, $0x1;
	s6 =	sadd.s32 s21, s4  }
0x9e: {  	[timem:s8], [sflag:s22] =	dma.local [hbm:s6], s20  }
0x9f: {  	_ =	swait.ge [sflag:s22], s20  }
0xa0: {  	s5 =	ssub.s32 $0x0, s20;
	[sflag:s22] =	ssyncset.done $0x0  }
0xa1: {  	[sflag:s22] =	ssyncadd.s32 s5;
	_ =	sdelay $0x1  }
0xa2: {  	s23 =	simm.s32 $0x1B8B  }
0xa3: {  	_ =	swait.ge [sflag:s23], $0x1  }
0xa4: {  	[sflag:s23] =	ssyncset.done $0x0  }
0xa5: {  	s25 =	simm.s32 $0x1B8E;
	s24 =	sld [smem:$0x3FFE];
	[sflag:s23] =	ssyncadd.s32 $0xFFFFFFFF  }
0xa6: {  	s26 =	simm.s32 $execute0_lowered;
	[smem:$0x3FD2] =	sst s25  }
0xa7: {  	s6 =	sshll.u32 s26, $0x1;
	_ =	strace $0x80000046;
	[dreg:$0x1] =	wrdreg $0xFFFFFFFF  }
0xa8: {  	s28 =	simm.s32 $_size_execute0_lowered;
	s4 =	sadd.s32 s4, s6;
	[dreg:$0x0] =	wrdreg $0x0  }
0xa9: {  	s6 =	sshll.u32 s28, $0x1;
	[dreg:$0x2] =	wrdreg s4  }
0xaa: {  	[dreg:$0x3] =	wrdreg s6  }
0xab: {  	[dreg:$0x4] =	wrdreg $0xC0  }
0xac: {  	_ =	task [dreg:s8], $0x5FFFF  }
0xad: {  	[dreg:$0x1] =	wrdreg $0xFFFFFFFF  }
0xae: {  	[dreg:$0x0] =	wrdreg $0x60  }
0xaf: {  	[dreg:$0x2] =	wrdreg s18  }
0xb0: {  	[dreg:$0x3] =	wrdreg s2  }
0xb1: {  	[dreg:$0x4] =	wrdreg s24  }
0xb2: {  	[dreg:$0x5] =	wrdreg $0x9  }
0xb3: {  	_ =	task.clear_ibuf [dreg:s8], $0x6FFFF;
	_ =	strace $0x90000046  }
0xb4: {  	s29 =	simm.s32 $0x9;
	_ =	strace $0x80000048  }
0xb5: {  	_ =	swait.ge [sflag:s29], $0x1  }
0xb6: {  	[sflag:s29] =	ssyncadd.s32 $0xFFFFFFFF  }
0xb7: {  	_ =	strace $0x90000048  }
0xb8: {  	_ =	sfence  }
0xb9: {  	s30 =	sld [smem:$0x0];
	_ =	sdelay $0x2  }
0xba: {  	s31 =	sshll.u32 s1, $0xD;
	s1 =	sshrl.u32 s1, $0x2  }
0xbb: {  	s3 =	sand.u32 $0x4000, s31;
	s1 =	sadd.s32 s1, s30  }
0xbc: {  	s0 =	sor.u32 s3, s0;
	s1 =	sshll.u32 s1, $0x11  }
0xbd: {  	s0 =	sor.u32 s1, s0  }
0xbe: {  	s0 =	sadd.s32 $0x8F2B, s0  }
0xbf: {  	[sflag:s0] =	ssyncadd.remote.s32 $0x1  }
0xc0: {  	_ =	sfence.sel $0xFFFF  }
0xc1: {  	[dreg:$0x0] =	wrdreg $0xFFFFFFFF;
	(pc) =	sbr.abs _section_cstart, $3  }
0xc2: {  	[dreg:$0x1] =	wrdreg $0xFFFFFFFF  }
0xc3: {  	_ =	task.clear_ibuf [dreg:s8], $0x2FFFF;
	_ =	strace $0x9FFFFFFF  }
0xc4: {  	(tm) =	ssettm $0x7FFFFFFF  }
0xc5: {  	_ =	shalt  }
tec
execute0_lowered:
.L_overlay_start_1:
0x0: {  	(tag) =	ssettag $0x1  }
0x1: {  	s1 =	rddreg [dreg:$0x0]  }
0x2: {  	s0 =	rddreg [dreg:$0x1]  }
0x3: {  	s2 =	rddreg [dreg:$0x2];
	s3 =	simm.s32 $0x0  }
0x4: {  	s4 =	srdreg.scid;
	s5 =	stileid.u32;
	s13 =	simm.s32 $0x5  }
0x5: {  	s14 =	simm.s32 $0x80;
	s15 =	simm.s32 $0x400;
	s16 =	simm.s32 $0x6000  }
0x6: {  	s17 =	simm.s32 $0x6300;
	s18 =	simm.s32 $0xC300;
	s19 =	simm.s32 $0x1  }
0x7: {  	s20 =	simm.s32 $0x12300;
	s21 =	simm.s32 $0x3;
	s22 =	simm.s32 $0x4  }
0x8: {  	s23 =	simm.s32 $0x2;
	s24 =	simm.s32 $0x18300;
	s25 =	simm.s32 $0x0  }
0x9: {  	[smem:$0x7FF] =	sst s3;
	s6 =	sand.u32 $0x1, s4;
	s4 =	sshll.u32 s5, $0x1  }
0xa: {  	s8 =	sshrl.u32 s5, $0x2;
	s5 =	sadd.s32 $0x400, s2;
	_ =	strace $0x80000047  }
0xb: {  	s7 =	sor.u32 s6, s4;
	s9 =	smul.u32 $0x30000, s8;
	s10 =	ssub.s32 $0x2, s6  }
0xc: {  	s8 =	smul.u32 $0x1800, s8;
	s11 =	sor.u32 $0x40, s4;
	s7 =	sshll.u32 s7, $0x7  }
.Ltmp0:
0xd: {  	s30 =	sshrl.u32 s10, $0x1;
	s6 =	sand.u32 $0x380, s7;
	(pc) =	sbr.rel .LBB2_1-.Ltmp0, $4  }
0xe: {  	s7 =	sadd.s32 $0x1000, s2;
	s2 =	ssub.s32 s10, s30;
	s9 =	sor.u32 s9, s6  }
0xf: {  	s8 =	sor.u32 s8, s6;
	s12 =	smax.u32 s2, $0x1;
	s31 =	sadd.s32 $0xC0000, s9  }
0x10: {  	s8 =	sshrl.u32 s8, $0x3;
	s9 =	sshrl.u32 s9, $0x3;
	s10 =	sshrl.u32 s31, $0x3  }
0x11: {  	s8 =	sadd.s32 s0, s8;
	s9 =	sadd.s32 s1, s9;
	s10 =	sadd.s32 s1, s10  }
.LBB2_14:
0x12: {  	s25 =	sadd.s32 $0x1, s25  }
0x13: {  	_ =	swait.ge [sflag:s21], $0x6000;
	p0 =	sne.s32 s25, s12  }
.Ltmp1:
0x14: {  	[sflag:s21] =	ssyncset.done $0x0;
	(pc) =	sbr.rel @!p0 .LBB2_15-.Ltmp1, $4  }
0x15: {  	[sflag:s21] =	ssyncadd.s32 $0xFFFFA000  }
0x16: {  	_ =	swait.ge [sflag:s22], $0x6000  }
0x17: {  	[sflag:s22] =	ssyncset.done $0x0  }
0x18: {  	[sflag:s22] =	ssyncadd.s32 $0xFFFFA000  }
.LBB2_1:
0x19: {  	[tilespmem:s3], [sflag:$0x5] =	stream.linear.gather [hbm4b:s5+s3], $0x6000, $0x38;
	[tilespmem:$0x1E300] =	vst v63  }
0x1a: {  	_ =	swait.ge [sflag:s13], $0x6000  }
0x1b: {  	[sflag:s13] =	ssyncset.done $0x0  }
0x1c: {  	[sflag:s13] =	ssyncadd.s32 $0xFFFFA000  }
0x1d: {  	[tilespmem:s16], [sflag:$0x5] =	stream.strided.gather [hbm4b:s8+s14], $0x300, s15, s14, $0x38;
	[tilespmem:$0x1E300] =	vst v63  }
0x1e: {  	_ =	swait.ge [sflag:s13], $0x300  }
0x1f: {  	[sflag:s13] =	ssyncset.done $0x0  }
0x20: {  	s0 =	simm.s32 $0x0;
	s26 =	simm.s32 $0x0;
	[sflag:s13] =	ssyncadd.s32 $0xFFFFFD00  }
.LBB2_2:
0x21: {  	s2 =	simm.s32 $0x0;
	s28 =	sadd.s32 $0x0, s0  }
0x22: {  	s29 =	simm.s32 $0x6000;
	s28 =	sand.u32 $0xFF80, s28;
	s2 =	sand.u32 $0x70, s2  }
0x23: {  	v0 =	vld [tilespmem:s29+$0x0];
	s28 =	sor.u32 s2, s28  }
0x24: {  	v1 =	vld [tilespmem:s28+$0x0];
	_ =	sdelay $0x4  }
0x25: {  	s30 =	simm.s32 $0x10;
	v0 =	vadd.f32 v0, v1  }
0x26: {  	s31 =	simm.s32 $0x20;
	s29 =	simm.s32 $0x6010;
	s2 =	sadd.s32 $0x10, s0  }
.LBB2_3:
0x27: {  	p0 =	sne.s32 s31, $0x2F0;
	s2 =	sand.u32 $0xFF80, s2;
	s30 =	sand.u32 $0x70, s30;
	[tilespmem:s28+$0x0] =	vst v0  }
0x28: {  	s28 =	sor.u32 s30, s2;
	v0 =	vld [tilespmem:s29+$0x0];
	s30 =	smov.u32 s31  }
0x29: {  	v1 =	vld [tilespmem:s28+$0x0];
	_ =	sdelay $0x1  }
.Ltmp2:
0x2a: {  	(pc) =	sbr.rel @p0 .LBB2_3-.Ltmp2, $3  }
0x2b: {  	_ =	sdelay $0x1  }
0x2c: {  	v0 =	vadd.f32 v0, v1  }
0x2d: {  	s31 =	sadd.s32 $0x10, s31;
	s29 =	sadd.s32 $0x10, s29;
	s2 =	sadd.s32 s30, s0  }
0x2e: {  	s2 =	sand.u32 $0xFF80, s2;
	s30 =	sand.u32 $0x70, s30;
	[tilespmem:s28+$0x0] =	vst v0  }
0x2f: {  	s2 =	sor.u32 s30, s2;
	v0 =	vld [tilespmem:s29+$0x0]  }
0x30: {  	v1 =	vld [tilespmem:s2+$0x0]  }
0x31: {  	s26 =	sadd.s32 $0x1, s26  }
0x32: {  	p0 =	sne.s32 s26, $0x20  }
.Ltmp3:
0x33: {  	_ = 	snop;
	(pc) =	sbr.rel @p0 .LBB2_2-.Ltmp3, $3  }
0x34: {  	_ = 	snop  }
0x35: {  	v0 =	vadd.f32 v0, v1;
	_ =	sdelay $0x1  }
0x36: {  	s0 =	sadd.s32 $0x300, s0;
	[tilespmem:s2+$0x0] =	vst v0  }
.Ltmp4:
0x37: {  	(pc) =	sbr.rel .LBB2_6-.Ltmp4, $4  }
0x38: {  	_ = 	snop  }
0x39: {  	[tilespmem:s17], [sflag:$0x1] =	stream.strided.gather [hbm4b:s9+s14], $0x6000, s15, s14, $0x38;
	[tilespmem:$0x1E300] =	vst v63  }
0x3a: {  	s26 =	simm.s32 $0x0  }
0x3b: {  	[tilespmem:s18], [sflag:$0x2] =	stream.strided.gather [hbm4b:s10+s14], $0x6000, s15, s14, $0x38;
	[tilespmem:$0x1E300] =	vst v63  }
.LBB2_13:
0x3c: {  	s26 =	sadd.s32 $0x1, s26  }
0x3d: {  	p0 =	sne.s32 s26, $0x40  }
.Ltmp5:
0x3e: {  	_ = 	snop;
	(pc) =	sbr.rel @!p0 .LBB2_14-.Ltmp5, $1  }
0x3f: {  	_ =	sdelay $0x3  }
.LBB2_6:
0x40: {  	s2 =	sand.u32 $0x1, s26  }
0x41: {  	s29 =	sshll.u32 s26, $0x5;
	p1 =	seq.s32 s2, $0x1  }
.Ltmp6:
0x42: {  	s0 =	sor.u32 s4, s29;
	(pc) =	sbr.rel @p1 .LBB2_10-.Ltmp6, $3  }
0x43: {  	s0 =	sshrl.u32 s0, $0x3  }
0x44: {  	s0 =	smul.u32 $0x30000, s0;
	_ =	sdelay $0x1  }
0x45: {  	p0 =	slt.u32 s26, $0x2;
	s28 =	sor.u32 s6, s0  }
0x46: {  	_ =	swait.ge [sflag:s19], $0x6000  }
0x47: {  	[sflag:s19] =	ssyncset.done $0x0  }
0x48: {  	s0 =	simm.s32 @!p0 $0x3;
	[sflag:s19] =	ssyncadd.s32 $0xFFFFA000  }
0x49: {  	_ =	swait.ge @!p0 [sflag:s0], $0x6000  }
0x4a: {  	[sflag:s0] =	ssyncset.done @!p0 $0x0  }
0x4b: {  	s30 =	simm.s32 $0x0;
	[sflag:s0] =	ssyncadd.s32 @!p0 $0xFFFFA000  }
0x4c: {  	v0 =	vld [tilespmem:s30+$0x6370]  }
0x4d: {  	v1 =	vld [tilespmem:s30+$0x70]  }
0x4e: {  	v2 =	vld [tilespmem:s30+$0x6300]  }
0x4f: {  	v3 =	vld [tilespmem:s30+$0x0]  }
0x50: {  	v4 =	vld [tilespmem:s30+$0x6310]  }
0x51: {  	v5 =	vld [tilespmem:s30+$0x10]  }
0x52: {  	v6 =	vld [tilespmem:s30+$0x6320]  }
0x53: {  	v7 =	vld [tilespmem:s30+$0x6330]  }
0x54: {  	v0 =	vadd.f32 v1, v0;
	v1 =	vld [tilespmem:s30+$0x20]  }
0x55: {  	v8 =	vld [tilespmem:s30+$0x30]  }
0x56: {  	v9 =	vld [tilespmem:s30+$0x40];
	v2 =	vadd.f32 v3, v2  }
0x57: {  	[tilespmem:s30+$0x12370] =	vst v0;
	v0 =	vadd.f32 v5, v4;
	v5 =	vld [tilespmem:s30+$0x6340]  }
0x58: {  	v3 =	vld [tilespmem:s30+$0x50];
	[tilespmem:s30+$0x12300] =	vst v2  }
0x59: {  	v2 =	vld [tilespmem:s30+$0x6350];
	[tilespmem:s30+$0x12310] =	vst v0;
	v0 =	vadd.f32 v1, v6  }
0x5a: {  	v4 =	vld [tilespmem:s30+$0x60];
	v6 =	vadd.f32 v8, v7  }
0x5b: {  	s31 =	simm.s32 $0x80;
	[tilespmem:s30+$0x12320] =	vst v0;
	v0 =	vld [tilespmem:s30+$0x6360]  }
0x5c: {  	s0 =	simm.s32 $0x400;
	v5 =	vadd.f32 v9, v5;
	v1 =	vld [tilespmem:s31+$0x6370];
	[tilespmem:s30+$0x12330] =	vst v6  }
.LBB2_8:
0x5d: {  	p0 =	sne.s32 s0, $0x17E00;
	v6 =	vld [tilespmem:s31+$0x70]  }
0x5e: {  	v7 =	vld [tilespmem:s31+$0x6300];
	[tilespmem:s30+$0x12340] =	vst v5;
	v2 =	vadd.f32 v3, v2  }
0x5f: {  	v3 =	vld [tilespmem:s31+$0x0]  }
0x60: {  	v5 =	vld [tilespmem:s31+$0x6310];
	[tilespmem:s30+$0x12350] =	vst v2;
	v0 =	vadd.f32 v4, v0  }
0x61: {  	v2 =	vld [tilespmem:s31+$0x10]  }
0x62: {  	v4 =	vld [tilespmem:s31+$0x6320];
	v1 =	vadd.f32 v6, v1;
	[tilespmem:s30+$0x12360] =	vst v0;
	s30 =	smov.u32 s31  }
0x63: {  	v0 =	vld [tilespmem:s30+$0x20]  }
0x64: {  	v3 =	vadd.f32 v3, v7;
	v6 =	vld [tilespmem:s30+$0x6330];
	[tilespmem:s30+$0x12370] =	vst v1  }
0x65: {  	v1 =	vld [tilespmem:s30+$0x30]  }
0x66: {  	[tilespmem:s30+$0x12300] =	vst v3;
	v2 =	vadd.f32 v2, v5;
	v5 =	vld [tilespmem:s30+$0x6340]  }
0x67: {  	v7 =	vld [tilespmem:s30+$0x40]  }
.Ltmp7:
0x68: {  	[tilespmem:s30+$0x12310] =	vst v2;
	v0 =	vadd.f32 v0, v4;
	v2 =	vld [tilespmem:s30+$0x6350];
	(pc) =	sbr.rel @p0 .LBB2_8-.Ltmp7, $4  }
0x69: {  	v3 =	vld [tilespmem:s30+$0x50]  }
0x6a: {  	[tilespmem:s30+$0x12320] =	vst v0;
	v6 =	vadd.f32 v1, v6;
	v0 =	vld [tilespmem:s30+$0x6360]  }
0x6b: {  	s31 =	sshra.s32 s0, $0x2;
	v4 =	vld [tilespmem:s30+$0x60]  }
0x6c: {  	s0 =	sadd.s32 $0x200, s0;
	v1 =	vld [tilespmem:s31+$0x6370];
	[tilespmem:s30+$0x12330] =	vst v6;
	v5 =	vadd.f32 v7, v5  }
0x6d: {  	v6 =	vld [tilespmem:s31+$0x70]  }
0x6e: {  	v7 =	vld [tilespmem:s31+$0x6300];
	[tilespmem:s30+$0x12340] =	vst v5;
	v2 =	vadd.f32 v3, v2  }
0x6f: {  	v51 =	vld [tilespmem:s31+$0x0]  }
0x70: {  	v5 =	vld [tilespmem:s31+$0x6310];
	[tilespmem:s30+$0x12350] =	vst v2;
	v0 =	vadd.f32 v4, v0  }
0x71: {  	v2 =	vld [tilespmem:s31+$0x10]  }
0x72: {  	v52 =	vld [tilespmem:s31+$0x6320];
	[tilespmem:s30+$0x12360] =	vst v0  }
0x73: {  	v54 =	vld [tilespmem:s31+$0x20]  }
0x74: {  	v55 =	vld [tilespmem:s31+$0x6330]  }
0x75: {  	v56 =	vld [tilespmem:s31+$0x30]  }
0x76: {  	v57 =	vld [tilespmem:s31+$0x6340]  }
0x77: {  	v58 =	vld [tilespmem:s31+$0x40]  }
0x78: {  	v59 =	vld [tilespmem:s31+$0x6350]  }
0x79: {  	v53 =	vadd.f32 v6, v1;
	v60 =	vld [tilespmem:s31+$0x50]  }
0x7a: {  	v61 =	vld [tilespmem:s31+$0x6360];
	v3 =	vadd.f32 v51, v7  }
0x7b: {  	p0 =	sgt.u32 s26, $0x3D;
	v62 =	vld [tilespmem:s31+$0x60];
	[tilespmem:s31+$0x12370] =	vst v53;
	v2 =	vadd.f32 v2, v5  }
0x7c: {  	s0 =	sadd.s32 @!p0 s11, s29;
	[tilespmem:s31+$0x12300] =	vst v3;
	v1 =	vadd.f32 v54, v52  }
0x7d: {  	s0 =	sshrl.u32 @!p0 s0, $0x3;
	[tilespmem:s31+$0x12310] =	vst v2;
	v0 =	vadd.f32 v56, v55  }
0x7e: {  	s0 =	smul.u32 @!p0 $0x30000, s0;
	v3 =	vadd.f32 v58, v57;
	[tilespmem:s31+$0x12320] =	vst v1  }
0x7f: {  	v63 =	vadd.f32 v60, v59;
	[tilespmem:s31+$0x12330] =	vst v0  }
0x80: {  	s2 =	simm.s32 @!p0 $0x80;
	s0 =	sor.u32 @!p0 s6, s0;
	[tilespmem:s31+$0x12340] =	vst v3;
	v1 =	vadd.f32 v62, v61  }
.Ltmp8:
0x81: {  	s29 =	simm.s32 @!p0 $0x400;
	s0 =	sshrl.u32 @!p0 s0, $0x3;
	[tilespmem:s31+$0x12350] =	vst v63;
	(pc) =	sbr.rel .LBB2_13-.Ltmp8, $4  }
0x82: {  	s30 =	simm.s32 @!p0 $0x6300;
	s0 =	sadd.s32 @!p0 s1, s0;
	[tilespmem:s31+$0x12360] =	vst v1;
	s31 =	sshrl.u32 s28, $0x3  }
0x83: {  	[tilespmem:s30], [sflag:$0x1] =	stream.strided.gather @!p0 [hbm4b:s0+s2], $0x6000, s29, s2, $0x38;
	[tilespmem:$0x1E300] =	vst v63  }
0x84: {  	s0 =	sadd.s32 s7, s31  }
0x85: {  	[hbm4b:s0+s14] =	stream.strided.scatter [tilespmem:s20], [sflag:$0x3], $0x6000, s15, s14, $0x38;
	[tilespmem:$0x1E300] =	vst v63  }
.LBB2_10:
0x86: {  	_ =	swait.ge [sflag:s23], $0x6000  }
0x87: {  	[sflag:s23] =	ssyncset.done $0x0  }
0x88: {  	s0 =	simm.s32 @!p0 $0x4;
	[sflag:s23] =	ssyncadd.s32 $0xFFFFA000  }
0x89: {  	_ =	swait.ge @!p0 [sflag:s0], $0x6000  }
0x8a: {  	[sflag:s0] =	ssyncset.done @!p0 $0x0  }
0x8b: {  	s30 =	simm.s32 $0x0;
	[sflag:s0] =	ssyncadd.s32 @!p0 $0xFFFFA000  }
0x8c: {  	v0 =	vld [tilespmem:s30+$0xC370]  }
0x8d: {  	v1 =	vld [tilespmem:s30+$0x70]  }
0x8e: {  	v2 =	vld [tilespmem:s30+$0xC300]  }
0x8f: {  	v3 =	vld [tilespmem:s30+$0x0]  }
0x90: {  	v4 =	vld [tilespmem:s30+$0xC310]  }
0x91: {  	v5 =	vld [tilespmem:s30+$0x10]  }
0x92: {  	v6 =	vld [tilespmem:s30+$0xC320]  }
0x93: {  	v7 =	vld [tilespmem:s30+$0xC330]  }
0x94: {  	v0 =	vadd.f32 v1, v0;
	v1 =	vld [tilespmem:s30+$0x20]  }
0x95: {  	v8 =	vld [tilespmem:s30+$0x30]  }
0x96: {  	v9 =	vld [tilespmem:s30+$0x40];
	v2 =	vadd.f32 v3, v2  }
0x97: {  	[tilespmem:s30+$0x18370] =	vst v0;
	v0 =	vadd.f32 v5, v4;
	v5 =	vld [tilespmem:s30+$0xC340]  }
0x98: {  	v3 =	vld [tilespmem:s30+$0x50];
	[tilespmem:s30+$0x18300] =	vst v2  }
0x99: {  	v2 =	vld [tilespmem:s30+$0xC350];
	[tilespmem:s30+$0x18310] =	vst v0;
	v0 =	vadd.f32 v1, v6  }
0x9a: {  	v4 =	vld [tilespmem:s30+$0x60];
	v6 =	vadd.f32 v8, v7  }
0x9b: {  	s31 =	simm.s32 $0x80;
	[tilespmem:s30+$0x18320] =	vst v0;
	v0 =	vld [tilespmem:s30+$0xC360]  }
0x9c: {  	s0 =	simm.s32 $0x400;
	v5 =	vadd.f32 v9, v5;
	v1 =	vld [tilespmem:s31+$0xC370];
	[tilespmem:s30+$0x18330] =	vst v6  }
.LBB2_11:
0x9d: {  	p0 =	sne.s32 s0, $0x17E00;
	v6 =	vld [tilespmem:s31+$0x70]  }
0x9e: {  	v7 =	vld [tilespmem:s31+$0xC300];
	[tilespmem:s30+$0x18340] =	vst v5;
	v2 =	vadd.f32 v3, v2  }
0x9f: {  	v3 =	vld [tilespmem:s31+$0x0]  }
0xa0: {  	v5 =	vld [tilespmem:s31+$0xC310];
	[tilespmem:s30+$0x18350] =	vst v2;
	v0 =	vadd.f32 v4, v0  }
0xa1: {  	v2 =	vld [tilespmem:s31+$0x10]  }
0xa2: {  	v4 =	vld [tilespmem:s31+$0xC320];
	v1 =	vadd.f32 v6, v1;
	[tilespmem:s30+$0x18360] =	vst v0;
	s30 =	smov.u32 s31  }
0xa3: {  	v0 =	vld [tilespmem:s30+$0x20]  }
0xa4: {  	v3 =	vadd.f32 v3, v7;
	v6 =	vld [tilespmem:s30+$0xC330];
	[tilespmem:s30+$0x18370] =	vst v1  }
0xa5: {  	v1 =	vld [tilespmem:s30+$0x30]  }
0xa6: {  	[tilespmem:s30+$0x18300] =	vst v3;
	v2 =	vadd.f32 v2, v5;
	v5 =	vld [tilespmem:s30+$0xC340]  }
0xa7: {  	v7 =	vld [tilespmem:s30+$0x40]  }
.Ltmp9:
0xa8: {  	[tilespmem:s30+$0x18310] =	vst v2;
	v0 =	vadd.f32 v0, v4;
	v2 =	vld [tilespmem:s30+$0xC350];
	(pc) =	sbr.rel @p0 .LBB2_11-.Ltmp9, $4  }
0xa9: {  	v3 =	vld [tilespmem:s30+$0x50]  }
0xaa: {  	[tilespmem:s30+$0x18320] =	vst v0;
	v6 =	vadd.f32 v1, v6;
	v0 =	vld [tilespmem:s30+$0xC360]  }
0xab: {  	s31 =	sshra.s32 s0, $0x2;
	v4 =	vld [tilespmem:s30+$0x60]  }
0xac: {  	s0 =	sadd.s32 $0x200, s0;
	v1 =	vld [tilespmem:s31+$0xC370];
	[tilespmem:s30+$0x18330] =	vst v6;
	v5 =	vadd.f32 v7, v5  }
0xad: {  	v6 =	vld [tilespmem:s31+$0x70]  }
0xae: {  	v7 =	vld [tilespmem:s31+$0xC300];
	[tilespmem:s30+$0x18340] =	vst v5;
	v2 =	vadd.f32 v3, v2  }
0xaf: {  	v51 =	vld [tilespmem:s31+$0x0]  }
0xb0: {  	v5 =	vld [tilespmem:s31+$0xC310];
	[tilespmem:s30+$0x18350] =	vst v2;
	v0 =	vadd.f32 v4, v0  }
0xb1: {  	v2 =	vld [tilespmem:s31+$0x10]  }
0xb2: {  	v52 =	vld [tilespmem:s31+$0xC320];
	[tilespmem:s30+$0x18360] =	vst v0  }
0xb3: {  	v54 =	vld [tilespmem:s31+$0x20]  }
0xb4: {  	v55 =	vld [tilespmem:s31+$0xC330]  }
0xb5: {  	v56 =	vld [tilespmem:s31+$0x30]  }
0xb6: {  	v57 =	vld [tilespmem:s31+$0xC340]  }
0xb7: {  	v58 =	vld [tilespmem:s31+$0x40]  }
0xb8: {  	v59 =	vld [tilespmem:s31+$0xC350]  }
0xb9: {  	v53 =	vadd.f32 v6, v1;
	v60 =	vld [tilespmem:s31+$0x50]  }
0xba: {  	v61 =	vld [tilespmem:s31+$0xC360];
	v3 =	vadd.f32 v51, v7  }
0xbb: {  	p0 =	sgt.u32 s26, $0x3D;
	v62 =	vld [tilespmem:s31+$0x60];
	[tilespmem:s31+$0x18370] =	vst v53;
	v2 =	vadd.f32 v2, v5  }
0xbc: {  	s0 =	sadd.s32 @!p0 s11, s29;
	[tilespmem:s31+$0x18300] =	vst v3;
	v1 =	vadd.f32 v54, v52  }
0xbd: {  	s0 =	sshrl.u32 @!p0 s0, $0x3;
	[tilespmem:s31+$0x18310] =	vst v2;
	v0 =	vadd.f32 v56, v55  }
0xbe: {  	s0 =	smul.u32 @!p0 $0x30000, s0;
	v3 =	vadd.f32 v58, v57;
	[tilespmem:s31+$0x18320] =	vst v1  }
0xbf: {  	v63 =	vadd.f32 v60, v59;
	[tilespmem:s31+$0x18330] =	vst v0  }
0xc0: {  	s2 =	simm.s32 @!p0 $0x80;
	s0 =	sor.u32 @!p0 s6, s0;
	[tilespmem:s31+$0x18340] =	vst v3;
	v1 =	vadd.f32 v62, v61  }
.Ltmp10:
0xc1: {  	s29 =	simm.s32 @!p0 $0x400;
	s0 =	sshrl.u32 @!p0 s0, $0x3;
	[tilespmem:s31+$0x18350] =	vst v63;
	(pc) =	sbr.rel .LBB2_13-.Ltmp10, $4  }
0xc2: {  	s30 =	simm.s32 @!p0 $0xC300;
	s0 =	sadd.s32 @!p0 s1, s0;
	[tilespmem:s31+$0x18360] =	vst v1;
	s31 =	sshrl.u32 s28, $0x3  }
0xc3: {  	[tilespmem:s30], [sflag:$0x2] =	stream.strided.gather @!p0 [hbm4b:s0+s2], $0x6000, s29, s2, $0x38;
	[tilespmem:$0x1E300] =	vst v63  }
0xc4: {  	s0 =	sadd.s32 s7, s31  }
0xc5: {  	[hbm4b:s0+s14] =	stream.strided.scatter [tilespmem:s24], [sflag:$0x4], $0x6000, s15, s14, $0x38;
	[tilespmem:$0x1E300] =	vst v63  }
.LBB2_15:
0xc6: {  	_ =	sfence.sel $0x180000  }
0xc7: {  	[bflag:$0x0] =	sbarrier.arrive $0xFFFF  }
0xc8: {  	_ =	strace $0x90000047  }
0xc9: {  	s0 =	stileid.u32;
	[bflag:$0x2] =	sbarrier.arrive $0xFFFF  }
0xca: {  	p0 =	sne.s32 s0, $0x0;
	s0 =	rddreg [dreg:$0x3]  }
0xcb: {  	s0 =	sadd.s32 @!p0 $0x100000, s0  }
0xcc: {  	[sflag:s0] =	ssyncadd.tile.s32 @!p0 $0x1;
	_ =	shalt  }
.Lfunc_end2:
_tile_overlayer_lowered:
.L_overlay_start_2:
0xcd: {  	(tag) =	ssettag $0x2  }
0xce: {  	s0 =	rddreg [dreg:$0x0];
	s2 =	stileid.u32  }
0xcf: {  	s1 =	rddreg [dreg:$0x1];
	p0 =	sne.s32 s2, $0x0  }
0xd0: {  	s3 =	rddreg [dreg:$0x2];
	[bflag:$0x3] =	sbarrier.arrive $0xFFFF;
	s2 =	simm.s32 @!p0 $0x1C05  }
0xd1: {  	[timem:s3], [sflag:s2] =	dma.local @!p0 [hbm:s0], s1  }
0xd2: {  	s0 =	simm.s32 @!p0 $0x5  }
0xd3: {  	_ =	swait.ge @!p0 [sflag:s0], s1  }
0xd4: {  	s1 =	ssub.s32 @!p0 $0x0, s1;
	[sflag:s0] =	ssyncset.done @!p0 $0x0  }
0xd5: {  	[sflag:s0] =	ssyncadd.s32 @!p0 s1  }
0xd6: {  	[bflag:$0x3] =	sbarrier.arrive $0xFFFF  }
0xd7: {  	_ =	shalt  }

</sc_bundles>
